<compile_context>
chip_gen: v7x
topology: tpu7x:2x2x1
jax: 0.10.2.dev20260603
libtpu: 0.0.44.dev20260713+nightly
codegen_flags: <defaults>
</compile_context>

<pallas_src>
import functools
import math

import jax
import jax.numpy as jnp
import numpy as np
from jax import lax
from jax.experimental import pallas as pl
from jax.experimental.pallas import tpu as pltpu
from jax.experimental.pallas import tpu_sc as plsc

_SEQ_LEN = 512
_D_MODEL = 256
_H = 4
_FACTOR = 4
_SZ = 4
_B = _SZ
_L = _SEQ_LEN * 4
_E = _D_MODEL // _H
_U = _FACTOR * int(np.ceil(np.log(_L)))
_G = _B * _H
_NEG = -1e30

def _threefry2x32(k0, k1, x0, x1):
    rot = ((13, 15, 26, 6), (17, 29, 16, 24))
    k0 = np.uint32(k0)
    k1 = np.uint32(k1)
    ks = (k0, k1, np.uint32(k0 ^ k1 ^ np.uint32(0x1BD11BDA)))

    def rotl(x, r):
        return ((x << np.uint32(r)) | (x >> np.uint32(32 - r))).astype(np.uint32)

    x0 = (x0 + ks[0]).astype(np.uint32)
    x1 = (x1 + ks[1]).astype(np.uint32)
    for i in range(5):
        for r in rot[i % 2]:
            x0 = (x0 + x1).astype(np.uint32)
            x1 = rotl(x1, r) ^ x0
        x0 = (x0 + ks[(i + 1) % 3]).astype(np.uint32)
        x1 = (x1 + ks[(i + 2) % 3] + np.uint32(i + 1)).astype(np.uint32)
    return x0, x1


def _random_bits_np(k0, k1, n):
    iota = np.arange(n, dtype=np.uint64)
    hi = (iota >> np.uint64(32)).astype(np.uint32)
    lo = (iota & np.uint64(0xFFFFFFFF)).astype(np.uint32)
    b0, b1 = _threefry2x32(k0, k1, hi, lo)
    return b0 ^ b1


def _randint_np(seed, shape, minval, maxval):
    n = int(np.prod(shape))
    b0, b1 = _threefry2x32(np.uint32(np.uint64(seed) >> np.uint64(32)),
                           np.uint32(np.uint64(seed) & np.uint64(0xFFFFFFFF)),
                           np.zeros(2, np.uint32), np.arange(2, dtype=np.uint32))
    ka, kb = (b0[0], b1[0]), (b0[1], b1[1])
    higher = _random_bits_np(ka[0], ka[1], n).astype(np.uint64)
    lower = _random_bits_np(kb[0], kb[1], n).astype(np.uint64)
    span = np.uint64(maxval - minval)
    mult = (np.uint64(2 ** 16) % span) ** 2 % span
    off = ((higher % span) * mult + lower % span) % span
    return (off.astype(np.int32) + np.int32(minval)).reshape(shape)


_idx_sample = _randint_np(42, (_L, _U), 0, _L)

_P = (np.arange(_L) % 4) * 512 + np.arange(_L) // 4
_CpT = np.zeros((_L, _L), dtype=np.int32)
np.add.at(_CpT, (_P[_idx_sample], np.broadcast_to(_P[:, None], (_L, _U))), 1)
_CpT8 = _CpT.astype(np.int8)


def _k1_body(cc_ref, wq_ref, bq_ref, wk_ref, bk_ref, wv_ref, bv_ref,
             cpt_ref, qp_ref, kp_ref, vp_ref, m_ref, vs_ref):
    f32 = jnp.float32
    ccb = cc_ref[...]

    def proj(w_ref, b_ref):
        m = lax.dot_general(ccb, w_ref[...], (((1,), (1,)), ((), ())))
        m = m + b_ref[...]
        return jnp.concatenate(
            [m[:, 64 * p:64 * (p + 1)] for p in range(4)], axis=0)

    qp = proj(wq_ref, bq_ref)
    kp = proj(wk_ref, bk_ref)
    vp = proj(wv_ref, bv_ref)
    qp_ref[...] = qp.astype(jnp.bfloat16)
    kp_ref[...] = kp.astype(jnp.bfloat16)
    vp_ref[...] = vp.astype(jnp.bfloat16)
    vs_ref[...] = jnp.sum(vp, axis=0, keepdims=True).reshape(1, 1, _E)

    rows = []
    for lb in range(16):
        qb = qp[128 * lb:128 * (lb + 1), :]
        qk = lax.dot_general(kp, qb, (((1,), (1,)), ((), ())))
        cb = cpt_ref[:, 128 * lb:128 * (lb + 1)].astype(f32)
        mx = jnp.max(jnp.where(cb > 0.0, qk, _NEG), axis=0, keepdims=True)
        sm = jnp.sum(qk * cb, axis=0, keepdims=True)
        rows.append(mx - sm * (1.0 / _L))
    m_ref[...] = jnp.concatenate(rows, axis=0).reshape(1, 16, 128)


def _k1(cc2d, Wq, bq, Wk, bk, Wv, bv, cpt):
    full = lambda shape: pl.BlockSpec(shape, lambda i: (0,) * len(shape))
    return pl.pallas_call(
        _k1_body,
        grid=(_G,),
        in_specs=[
            pl.BlockSpec((512, 256), lambda i: (i, 0)),
            full((256, 256)), full((1, 256)),
            full((256, 256)), full((1, 256)),
            full((256, 256)), full((1, 256)),
            full((_L, _L)),
        ],
        out_specs=[
            pl.BlockSpec((_L, _E), lambda i: (i, 0)),
            pl.BlockSpec((_L, _E), lambda i: (i, 0)),
            pl.BlockSpec((_L, _E), lambda i: (i, 0)),
            pl.BlockSpec((1, 16, 128), lambda i: (i, 0, 0)),
            pl.BlockSpec((1, 1, _E), lambda i: (i, 0, 0)),
        ],
        out_shape=[
            jax.ShapeDtypeStruct((_G * _L, _E), jnp.bfloat16),
            jax.ShapeDtypeStruct((_G * _L, _E), jnp.bfloat16),
            jax.ShapeDtypeStruct((_G * _L, _E), jnp.bfloat16),
            jax.ShapeDtypeStruct((_G, 16, 128), jnp.float32),
            jax.ShapeDtypeStruct((_G, 1, _E), jnp.float32),
        ],
    )(cc2d, Wq, bq.reshape(1, -1), Wk, bk.reshape(1, -1),
      Wv, bv.reshape(1, -1), cpt)


_NCHUNK = _L // 16


def _scalar_max(v):
    xs = [v[i] for i in range(16)]
    while len(xs) > 1:
        xs = [jnp.maximum(xs[2 * k], xs[2 * k + 1])
              for k in range(len(xs) // 2)]
    return xs[0]


def _scalar_min(v):
    xs = [v[i] for i in range(16)]
    while len(xs) > 1:
        xs = [jnp.minimum(xs[2 * k], xs[2 * k + 1])
              for k in range(len(xs) // 2)]
    return xs[0]


def _sc_topk_body(m_hbm, idx_hbm, m_v, cm_v, idx_v):
    wid = lax.axis_index("s") * 2 + lax.axis_index("c")
    i32 = jnp.int32
    f32 = jnp.float32
    iota16 = lax.iota(i32, 16)
    big = 100000

    @pl.when(wid < _G)
    def _():
        pltpu.sync_copy(m_hbm.at[pl.ds(wid * _L, _L)], m_v)

        def build_cmax(c, carry):
            ch = m_v[pl.ds(c * 16, 16)]
            nm = _scalar_max(ch)
            grp = (c // 16) * 16
            cur = cm_v[pl.ds(grp, 16)]
            cm_v[pl.ds(grp, 16)] = jnp.where(iota16 == (c % 16), nm, cur)
            return carry

        lax.fori_loop(0, _NCHUNK, build_cmax, 0)

        def step(i, carry):
            idx_lo, idx_hi = carry
            groups = [cm_v[pl.ds(16 * j, 16)] for j in range(8)]
            t = groups[0]
            for j in range(1, 8):
                t = jnp.maximum(t, groups[j])
            gmax = _scalar_max(t)
            cand = jnp.where(groups[0] == gmax, iota16, big)
            for j in range(1, 8):
                cand = jnp.minimum(
                    cand,
                    jnp.where(groups[j] == gmax, j * 16 + iota16, big))
            c_star = _scalar_min(cand)
            ch = m_v[pl.ds(c_star * 16, 16)]
            lane = _scalar_min(jnp.where(ch == gmax, iota16, big))
            fi = c_star * 16 + lane
            idx_lo = jnp.where(iota16 == i, fi, idx_lo)
            idx_hi = jnp.where(iota16 == (i - 16), fi, idx_hi)
            ch2 = jnp.where(iota16 == lane, _NEG, ch)
            m_v[pl.ds(c_star * 16, 16)] = ch2
            nm = _scalar_max(ch2)
            grp = (c_star // 16) * 16
            cur = cm_v[pl.ds(grp, 16)]
            cm_v[pl.ds(grp, 16)] = jnp.where(iota16 == (c_star % 16), nm, cur)
            return idx_lo, idx_hi

        idx_lo, idx_hi = lax.fori_loop(
            0, _U, step,
            (jnp.zeros((16,), i32), jnp.zeros((16,), i32)))

        idx_v[pl.ds(0, 16)] = idx_lo
        idx_v[pl.ds(16, 16)] = idx_hi
        pltpu.sync_copy(idx_v, idx_hbm.at[pl.ds(wid * _U, _U)])


def _sc_topk(m1d):
    mesh = plsc.VectorSubcoreMesh(core_axis_name="c", subcore_axis_name="s")
    fn = functools.partial(
        pl.kernel,
        mesh=mesh,
        out_type=jax.ShapeDtypeStruct((_G * _U,), jnp.int32),
        scratch_types=[
            pltpu.VMEM((_L,), jnp.float32),
            pltpu.VMEM((_NCHUNK,), jnp.float32),
            pltpu.VMEM((_U,), jnp.int32),
        ],
    )(_sc_topk_body)
    return fn(m1d)


def _k3_body(qp_ref, kp_ref, vp_ref, vs_ref, fidx_ref, wo_ref, bo_ref,
             out_ref):
    f32 = jnp.float32
    bf16 = jnp.bfloat16
    kp = kp_ref[...]
    vp = vp_ref[...]
    fiv = fidx_ref[...].reshape(1, _U)
    row_iota = lax.broadcasted_iota(jnp.int32, (_L, _U), 0)
    oht16 = (row_iota == fiv).astype(bf16)
    qred = lax.dot_general(oht16, qp_ref[...], (((0,), (0,)), ((), ())),
                           preferred_element_type=f32)

    scores = lax.dot_general(qred.astype(bf16), kp, (((1,), (1,)), ((), ())),
                             preferred_element_type=f32)
    scores = scores * (1.0 / math.sqrt(_E))
    smax = jnp.max(scores, axis=1, keepdims=True)
    sexp = jnp.exp(scores - smax)
    attn = sexp / jnp.sum(sexp, axis=1, keepdims=True)
    upd = lax.dot_general(attn.astype(bf16), vp, (((1,), (0,)), ((), ())),
                          preferred_element_type=f32)

    vsum = vs_ref[...].reshape(1, _E)
    hi = lax.Precision.HIGHEST
    oht = oht16.astype(f32)
    ctx = jnp.dot(oht, upd - vsum, precision=hi) + vsum
    ctx2d = jnp.concatenate(
        [ctx[512 * p:512 * (p + 1), :] for p in range(4)], axis=1)
    out = lax.dot_general(ctx2d, wo_ref[...], (((1,), (1,)), ((), ())))
    out_ref[...] = out + bo_ref[...]


def _k3(qp, kp, vp, vs, fidx3, Wo, bo):
    full = lambda shape: pl.BlockSpec(shape, lambda i: (0,) * len(shape))
    return pl.pallas_call(
        _k3_body,
        grid=(_G,),
        in_specs=[
            pl.BlockSpec((_L, _E), lambda i: (i, 0)),
            pl.BlockSpec((_L, _E), lambda i: (i, 0)),
            pl.BlockSpec((_L, _E), lambda i: (i, 0)),
            pl.BlockSpec((1, 1, _E), lambda i: (i, 0, 0)),
            pl.BlockSpec((1, 1, _U), lambda i: (i, 0, 0)),
            full((256, 256)), full((1, 256)),
        ],
        out_specs=pl.BlockSpec((512, 256), lambda i: (i, 0)),
        out_shape=jax.ShapeDtypeStruct((_G * 512, 256), jnp.float32),
    )(qp, kp, vp, vs, fidx3, Wo, bo.reshape(1, -1))


def _run(cc2d, Wq, bq, Wk, bk, Wv, bv, Wo, bo):
    cpt = jnp.asarray(_CpT8)
    qp, kp, vp, m4, vs = _k1(cc2d, Wq, bq, Wk, bk, Wv, bv, cpt)
    fidx = _sc_topk(m4.reshape(-1))
    out2d = _k3(qp, kp, vp, vs, fidx.reshape(_G, 1, _U), Wo, bo)
    return out2d.reshape(_SEQ_LEN, -1)


def kernel(et, mp, co, vol, comp_idx, Wq, bq, Wk, bk, Wv, bv, Wo, bo):
    del comp_idx
    et2 = et.reshape(_SEQ_LEN, -1)
    co2 = co.reshape(_SEQ_LEN, -1)
    mp2 = mp.reshape(_SEQ_LEN, -1)
    vol2 = vol.reshape(_SEQ_LEN, -1)
    cc2d = jnp.concatenate([et2, co2, mp2, vol2], axis=-1).reshape(-1, _D_MODEL)
    return _run(cc2d, Wq, bq, Wk, bk, Wv, bv, Wo, bo)

# --- scband reference (transcript-rebuilt; emitter-appended) ---
"""Pipeline reference for scband-student-graph-40157944217665 (READ-ONLY COPY).

The authoritative reference and input builder live on the scoring server;
editing this copy changes nothing except your own understanding.
"""

import jax, jax.numpy as jnp
import numpy as np
import math

SEQ_LEN = 512
D_MODEL = 256
H = 4
FACTOR = 4
SZ = 4


def setup_inputs(seed: int = 0) -> dict:
    key = jax.random.key(seed)
    ks = jax.random.split(key, 9)
    et = jax.random.normal(ks[0], (SZ, SEQ_LEN, D_MODEL), dtype=jnp.float32)
    mp = jax.random.normal(ks[1], (SZ, SEQ_LEN, D_MODEL), dtype=jnp.float32)
    co = jax.random.normal(ks[2], (SZ, SEQ_LEN, D_MODEL), dtype=jnp.float32)
    vol = jax.random.normal(ks[3], (SZ, SEQ_LEN, D_MODEL), dtype=jnp.float32)
    comp_idx = jnp.arange(D_MODEL)
    Wq = jax.random.normal(ks[4], (D_MODEL, D_MODEL), dtype=jnp.float32) * 0.02
    Wk = jax.random.normal(ks[5], (D_MODEL, D_MODEL), dtype=jnp.float32) * 0.02
    Wv = jax.random.normal(ks[6], (D_MODEL, D_MODEL), dtype=jnp.float32) * 0.02
    Wo = jax.random.normal(ks[7], (D_MODEL, D_MODEL), dtype=jnp.float32) * 0.02
    bq = jnp.zeros((D_MODEL,), jnp.float32)
    bk = jnp.zeros((D_MODEL,), jnp.float32)
    bv = jnp.zeros((D_MODEL,), jnp.float32)
    bo = jnp.zeros((D_MODEL,), jnp.float32)
    return {"et": et, "mp": mp, "co": co, "vol": vol, "comp_idx": comp_idx,
            "Wq": Wq, "bq": bq, "Wk": Wk, "bk": bk, "Wv": Wv, "bv": bv, "Wo": Wo, "bo": bo}


def reference(et, mp, co, vol, comp_idx, Wq, bq, Wk, bk, Wv, bv, Wo, bo):
    sz = et.shape[0]
    et2 = et.reshape(SEQ_LEN, -1)
    co2 = co.reshape(SEQ_LEN, -1)
    mp2 = mp.reshape(SEQ_LEN, -1)
    vol2 = vol.reshape(SEQ_LEN, -1)
    comp_corr = jnp.concatenate([et2, co2, mp2, vol2], axis=-1).reshape(sz, SEQ_LEN * 4, -1)
    B, L, _ = comp_corr.shape
    S = L
    q = (comp_corr @ Wq.T + bq).reshape(B, L, H, -1)
    k = (comp_corr @ Wk.T + bk).reshape(B, S, H, -1)
    v = (comp_corr @ Wv.T + bv).reshape(B, S, H, -1)
    D = q.shape[-1]
    # faithful to original bug: plain view (no transpose) to (B, H, L, E)
    queries = q.reshape(B, H, L, -1)
    keys = k.reshape(B, H, S, -1)
    values = v.reshape(B, H, S, -1)
    U = FACTOR * int(np.ceil(np.log(S)))
    u = FACTOR * int(np.ceil(np.log(L)))
    Lk = keys.shape[2]
    E = keys.shape[3]
    Sq = queries.shape[2]
    # _prob_QK: sample keys, score sparsity measure, select top-u queries
    idx_sample = jax.random.randint(jax.random.key(42), (Sq, u), 0, Lk)
    K_sample = keys[:, :, idx_sample, :]  # (B, H, Sq, u, E) gather
    QK_sample = jnp.squeeze(jnp.matmul(queries[:, :, :, None, :], jnp.swapaxes(K_sample, -2, -1)), axis=-2)
    M = QK_sample.max(-1) - QK_sample.sum(-1) / Lk
    M_top = jax.lax.top_k(M, U)[1]  # (B, H, U)
    Q_reduce = jnp.take_along_axis(queries, M_top[..., None], axis=2)  # (B, H, U, E)
    scores = jnp.matmul(Q_reduce, jnp.swapaxes(keys, -2, -1)) * (1.0 / math.sqrt(D))
    # initial context (mask_flag=False): mean-field V sum broadcast
    V_sum = values.sum(-2)
    context = jnp.broadcast_to(V_sum[:, :, None, :], (B, H, L, values.shape[-1]))
    attn = jax.nn.softmax(scores, axis=-1)
    upd = jnp.matmul(attn, values)  # (B, H, U, E)
    def scat(ctx, idx, u_):
        return ctx.at[idx].set(u_)
    context = jax.vmap(jax.vmap(scat))(context, M_top, upd)
    out = context.reshape(B, L, -1) @ Wo.T + bo
    return out.reshape(SEQ_LEN, -1)

if __name__ == "__main__":
    import jax
    _d = setup_inputs()
    print(jax.jit(kernel)(*tuple(_d.values())))

</pallas_src>

<mosaic_0001>
#map = affine_map<(d0, d1) -> (0)>
module attributes {stable_mosaic.version = 14 : i64} {
  func.func @_sc_topk_body(%arg0: i32, %arg1: i32, %arg2: memref<32768xf32, #tpu.memory_space<hbm>>, %arg3: memref<512xi32, #tpu.memory_space<hbm>>, %arg4: memref<2048xf32, #tpu.memory_space<vmem>>, %arg5: memref<128xf32, #tpu.memory_space<vmem>>, %arg6: memref<32xi32, #tpu.memory_space<vmem>>) attributes {dimension_semantics = [#tpu.dimension_semantics<core_parallel>, #tpu.dimension_semantics<subcore_parallel>], iteration_bounds = array<i64: 2, 16>, scalar_prefetch = 0 : i64, scratch_operands = 3 : i64, tpu.core_type = #tpu.core_type<sc_vector_subcore>, window_params = [{transform_indices = #map}, {transform_indices = #map}]} {
    %mul3A = arith.constant 2 : i32
    %mul3A_0 = arith.muli %arg1, %mul3A : i32
    %add3A = arith.addi %mul3A_0, %arg0 : i32
    %iota3A = tpu.iota {dimensions = array<i32: 0>} : vector<16xi32>
    %lt3A = arith.constant 16 : i32
    %lt3A_1 = arith.cmpi slt, %add3A, %lt3A : i32
    %convert_element_type3A = arith.extui %lt3A_1 : i1 to i32
    %cond3A = arith.constant 0 : i32
    %cond3A_2 = arith.cmpi ne, %convert_element_type3A, %cond3A : i32
    scf.if %cond3A_2 {
      %mul3A_3 = arith.constant 2048 : i32
      %mul3A_4 = arith.muli %add3A, %mul3A_3 : i32
      "tpu.region"() ({
        %run_scoped3A = tpu.sem_alloc : memref<!tpu.dma_semaphore, #tpu.memory_space<semaphore_mem>>
        %dma_start3A = tpu.memref_slice %arg2[%mul3A_4] : memref<32768xf32, #tpu.memory_space<hbm>> -> memref<2048xf32, #tpu.memory_space<hbm>>
        %dma_start3A_28 = tpu.memref_slice %arg2[%mul3A_4] : memref<32768xf32, #tpu.memory_space<hbm>> -> memref<2048xf32, #tpu.memory_space<hbm>>
        tpu.enqueue_dma source(%dma_start3A_28 : memref<2048xf32, #tpu.memory_space<hbm>>) target(%arg4 : memref<2048xf32, #tpu.memory_space<vmem>>) target_semaphore(%run_scoped3A : memref<!tpu.dma_semaphore, #tpu.memory_space<semaphore_mem>>)
        %dma_wait3A = tpu.memref_slice %arg2[%mul3A_4] : memref<32768xf32, #tpu.memory_space<hbm>> -> memref<2048xf32, #tpu.memory_space<hbm>>
        %dma_wait3A_29 = tpu.memref_slice %arg2[%mul3A_4] : memref<32768xf32, #tpu.memory_space<hbm>> -> memref<2048xf32, #tpu.memory_space<hbm>>
        tpu.wait_dma2 semaphore(%run_scoped3A : memref<!tpu.dma_semaphore, #tpu.memory_space<semaphore_mem>>) src(%dma_wait3A_29 : memref<2048xf32, #tpu.memory_space<hbm>>) dst(%arg4 : memref<2048xf32, #tpu.memory_space<vmem>>)
        tpu.yield
      }) : () -> ()
      %scan3A = arith.constant 0 : i32
      %scan3A_5 = arith.constant 0 : i32
      %scan3A_6 = arith.constant 128 : i32
      %scan3A_7 = arith.addi %scan3A_5, %scan3A_6 : i32
      %scan3A_8 = arith.constant 1 : i32
      scf.for %scan3A_28 = %scan3A_5 to %scan3A_7 step %scan3A_8  : i32 {
        %mul3A_29 = arith.constant 16 : i32
        %mul3A_30 = arith.muli %scan3A_28, %mul3A_29 : i32
        %get3A = arith.index_cast %mul3A_30 : i32 to index
        %get3A_31 = tpu.vector_load %arg4[%get3A] {strides = array<i32>} : memref<2048xf32, #tpu.memory_space<vmem>>, vector<16xf32>,
        %get3A_32 = vector.shape_cast %get3A_31 : vector<16xf32> to vector<16xf32>
        %slice3A = vector.extract_strided_slice %get3A_32 {offsets = [0], sizes = [1], strides = [1]} : vector<16xf32> to vector<1xf32>
        %squeeze3A = vector.extract %slice3A[0] : f32 from vector<1xf32>
        %slice3A_33 = vector.extract_strided_slice %get3A_32 {offsets = [1], sizes = [1], strides = [1]} : vector<16xf32> to vector<1xf32>
        %squeeze3A_34 = vector.extract %slice3A_33[0] : f32 from vector<1xf32>
        %slice3A_35 = vector.extract_strided_slice %get3A_32 {offsets = [2], sizes = [1], strides = [1]} : vector<16xf32> to vector<1xf32>
        %squeeze3A_36 = vector.extract %slice3A_35[0] : f32 from vector<1xf32>
        %slice3A_37 = vector.extract_strided_slice %get3A_32 {offsets = [3], sizes = [1], strides = [1]} : vector<16xf32> to vector<1xf32>
        %squeeze3A_38 = vector.extract %slice3A_37[0] : f32 from vector<1xf32>
        %slice3A_39 = vector.extract_strided_slice %get3A_32 {offsets = [4], sizes = [1], strides = [1]} : vector<16xf32> to vector<1xf32>
        %squeeze3A_40 = vector.extract %slice3A_39[0] : f32 from vector<1xf32>
        %slice3A_41 = vector.extract_strided_slice %get3A_32 {offsets = [5], sizes = [1], strides = [1]} : vector<16xf32> to vector<1xf32>
        %squeeze3A_42 = vector.extract %slice3A_41[0] : f32 from vector<1xf32>
        %slice3A_43 = vector.extract_strided_slice %get3A_32 {offsets = [6], sizes = [1], strides = [1]} : vector<16xf32> to vector<1xf32>
        %squeeze3A_44 = vector.extract %slice3A_43[0] : f32 from vector<1xf32>
        %slice3A_45 = vector.extract_strided_slice %get3A_32 {offsets = [7], sizes = [1], strides = [1]} : vector<16xf32> to vector<1xf32>
        %squeeze3A_46 = vector.extract %slice3A_45[0] : f32 from vector<1xf32>
        %slice3A_47 = vector.extract_strided_slice %get3A_32 {offsets = [8], sizes = [1], strides = [1]} : vector<16xf32> to vector<1xf32>
        %squeeze3A_48 = vector.extract %slice3A_47[0] : f32 from vector<1xf32>
        %slice3A_49 = vector.extract_strided_slice %get3A_32 {offsets = [9], sizes = [1], strides = [1]} : vector<16xf32> to vector<1xf32>
        %squeeze3A_50 = vector.extract %slice3A_49[0] : f32 from vector<1xf32>
        %slice3A_51 = vector.extract_strided_slice %get3A_32 {offsets = [10], sizes = [1], strides = [1]} : vector<16xf32> to vector<1xf32>
        %squeeze3A_52 = vector.extract %slice3A_51[0] : f32 from vector<1xf32>
        %slice3A_53 = vector.extract_strided_slice %get3A_32 {offsets = [11], sizes = [1], strides = [1]} : vector<16xf32> to vector<1xf32>
        %squeeze3A_54 = vector.extract %slice3A_53[0] : f32 from vector<1xf32>
        %slice3A_55 = vector.extract_strided_slice %get3A_32 {offsets = [12], sizes = [1], strides = [1]} : vector<16xf32> to vector<1xf32>
        %squeeze3A_56 = vector.extract %slice3A_55[0] : f32 from vector<1xf32>
        %slice3A_57 = vector.extract_strided_slice %get3A_32 {offsets = [13], sizes = [1], strides = [1]} : vector<16xf32> to vector<1xf32>
        %squeeze3A_58 = vector.extract %slice3A_57[0] : f32 from vector<1xf32>
        %slice3A_59 = vector.extract_strided_slice %get3A_32 {offsets = [14], sizes = [1], strides = [1]} : vector<16xf32> to vector<1xf32>
        %squeeze3A_60 = vector.extract %slice3A_59[0] : f32 from vector<1xf32>
        %slice3A_61 = vector.extract_strided_slice %get3A_32 {offsets = [15], sizes = [1], strides = [1]} : vector<16xf32> to vector<1xf32>
        %squeeze3A_62 = vector.extract %slice3A_61[0] : f32 from vector<1xf32>
        %max3A = arith.maximumf %squeeze3A, %squeeze3A_34 : f32
        %max3A_63 = arith.maximumf %squeeze3A_36, %squeeze3A_38 : f32
        %max3A_64 = arith.maximumf %squeeze3A_40, %squeeze3A_42 : f32
        %max3A_65 = arith.maximumf %squeeze3A_44, %squeeze3A_46 : f32
        %max3A_66 = arith.maximumf %squeeze3A_48, %squeeze3A_50 : f32
        %max3A_67 = arith.maximumf %squeeze3A_52, %squeeze3A_54 : f32
        %max3A_68 = arith.maximumf %squeeze3A_56, %squeeze3A_58 : f32
        %max3A_69 = arith.maximumf %squeeze3A_60, %squeeze3A_62 : f32
        %max3A_70 = arith.maximumf %max3A, %max3A_63 : f32
        %max3A_71 = arith.maximumf %max3A_64, %max3A_65 : f32
        %max3A_72 = arith.maximumf %max3A_66, %max3A_67 : f32
        %max3A_73 = arith.maximumf %max3A_68, %max3A_69 : f32
        %max3A_74 = arith.maximumf %max3A_70, %max3A_71 : f32
        %max3A_75 = arith.maximumf %max3A_72, %max3A_73 : f32
        %max3A_76 = arith.maximumf %max3A_74, %max3A_75 : f32
        %jit3A = arith.constant 16 : i32
        %div3A = arith.divsi %scan3A_28, %jit3A : i32
        %sign3A = arith.constant 0 : i32
        %sign3A_77 = arith.cmpi sgt, %scan3A_28, %sign3A : i32
        %sign3A_78 = arith.extui %sign3A_77 : i1 to i32
        %sign3A_79 = arith.constant 0 : i32
        %sign3A_80 = arith.cmpi slt, %scan3A_28, %sign3A_79 : i32
        %sign3A_81 = arith.extui %sign3A_80 : i1 to i32
        %sign3A_82 = arith.subi %sign3A_78, %sign3A_81 : i32
        %sign3A_83 = arith.constant 0 : i32
        %sign3A_84 = arith.cmpi sgt, %jit3A, %sign3A_83 : i32
        %sign3A_85 = arith.extui %sign3A_84 : i1 to i32
        %sign3A_86 = arith.constant 0 : i32
        %sign3A_87 = arith.cmpi slt, %jit3A, %sign3A_86 : i32
        %sign3A_88 = arith.extui %sign3A_87 : i1 to i32
        %sign3A_89 = arith.subi %sign3A_85, %sign3A_88 : i32
        %ne3A = arith.cmpi ne, %sign3A_82, %sign3A_89 : i32
        %rem3A = arith.remsi %scan3A_28, %jit3A : i32
        %ne3A_90 = arith.constant 0 : i32
        %ne3A_91 = arith.cmpi ne, %rem3A, %ne3A_90 : i32
        %and3A = arith.andi %ne3A, %ne3A_91 : i1
        %sub3A = arith.constant 1 : i32
        %sub3A_92 = arith.subi %div3A, %sub3A : i32
        %select_n3A = arith.select %and3A, %sub3A_92, %div3A : i32
        %mul3A_93 = arith.constant 16 : i32
        %mul3A_94 = arith.muli %select_n3A, %mul3A_93 : i32
        %get3A_95 = arith.index_cast %mul3A_94 : i32 to index
        %get3A_96 = tpu.vector_load %arg5[%get3A_95] {strides = array<i32>} : memref<128xf32, #tpu.memory_space<vmem>>, vector<16xf32>,
        %get3A_97 = vector.shape_cast %get3A_96 : vector<16xf32> to vector<16xf32>
        %jit3A_98 = arith.constant 16 : i32
        %eq3A = arith.constant 0 : i32
        %eq3A_99 = arith.cmpi eq, %jit3A_98, %eq3A : i32
        %jit3A_100 = arith.constant 1 : i32
        %select_n3A_101 = arith.select %eq3A_99, %jit3A_100, %jit3A_98 : i32
        %rem3A_102 = arith.remsi %scan3A_28, %select_n3A_101 : i32
        %ne3A_103 = arith.constant 0 : i32
        %ne3A_104 = arith.cmpi ne, %rem3A_102, %ne3A_103 : i32
        %lt3A_105 = arith.constant 0 : i32
        %lt3A_106 = arith.cmpi slt, %rem3A_102, %lt3A_105 : i32
        %lt3A_107 = arith.constant 0 : i32
        %lt3A_108 = arith.cmpi slt, %select_n3A_101, %lt3A_107 : i32
        %ne3A_109 = arith.xori %lt3A_106, %lt3A_108 : i1
        %and3A_110 = arith.andi %ne3A_109, %ne3A_104 : i1
        %add3A_111 = arith.addi %rem3A_102, %select_n3A_101 : i32
        %select_n3A_112 = arith.select %and3A_110, %add3A_111, %rem3A_102 : i32
        %eq3A_113 = vector.broadcast %select_n3A_112 : i32 to vector<16xi32>
        %eq3A_114 = arith.cmpi eq, %iota3A, %eq3A_113 : vector<16xi32>
        %broadcast_in_dim3A_115 = vector.broadcast %max3A_76 : f32 to vector<16xf32>
        %select_n3A_116 = arith.select %eq3A_114, %broadcast_in_dim3A_115, %get3A_97 : vector<16xi1>, vector<16xf32>
        %swap3A_117 = arith.index_cast %mul3A_94 : i32 to index
        %swap3A_118 = tpu.vector_load %arg5[%swap3A_117] {strides = array<i32>} : memref<128xf32, #tpu.memory_space<vmem>>, vector<16xf32>,
        %swap3A_119 = vector.shape_cast %swap3A_118 : vector<16xf32> to vector<16xf32>
        %swap3A_120 = vector.shape_cast %select_n3A_116 : vector<16xf32> to vector<16xf32>
        tpu.vector_store %arg5[%swap3A_117], %swap3A_120 {strides = array<i32>} : memref<128xf32, #tpu.memory_space<vmem>>, vector<16xf32>,
      }
      %scan3A_9 = arith.constant 128 : i32
      %broadcast_in_dim3A = arith.constant 0 : i32
      %broadcast_in_dim3A_10 = vector.broadcast %broadcast_in_dim3A : i32 to vector<16xi32>
      %broadcast_in_dim3A_11 = arith.constant 0 : i32
      %broadcast_in_dim3A_12 = vector.broadcast %broadcast_in_dim3A_11 : i32 to vector<16xi32>
      %scan3A_13 = arith.constant 0 : i32
      %scan3A_14 = arith.constant 32 : i32
      %scan3A_15 = arith.addi %scan3A_13, %scan3A_14 : i32
      %scan3A_16 = arith.constant 1 : i32
      %scan3A_17:2 = scf.for %scan3A_28 = %scan3A_13 to %scan3A_15 step %scan3A_16 iter_args(%scan3A_29 = %broadcast_in_dim3A_10, %scan3A_30 = %broadcast_in_dim3A_12) -> (vector<16xi32>, vector<16xi32>)  : i32 {
        %get3A = arith.constant 0 : index
        %get3A_31 = tpu.vector_load %arg5[%get3A] {strides = array<i32>} : memref<128xf32, #tpu.memory_space<vmem>>, vector<16xf32>,
        %get3A_32 = vector.shape_cast %get3A_31 : vector<16xf32> to vector<16xf32>
        %get3A_33 = arith.constant 16 : index
        %get3A_34 = tpu.vector_load %arg5[%get3A_33] {strides = array<i32>} : memref<128xf32, #tpu.memory_space<vmem>>, vector<16xf32>,
        %get3A_35 = vector.shape_cast %get3A_34 : vector<16xf32> to vector<16xf32>
        %get3A_36 = arith.constant 32 : index
        %get3A_37 = tpu.vector_load %arg5[%get3A_36] {strides = array<i32>} : memref<128xf32, #tpu.memory_space<vmem>>, vector<16xf32>,
        %get3A_38 = vector.shape_cast %get3A_37 : vector<16xf32> to vector<16xf32>
        %get3A_39 = arith.constant 48 : index
        %get3A_40 = tpu.vector_load %arg5[%get3A_39] {strides = array<i32>} : memref<128xf32, #tpu.memory_space<vmem>>, vector<16xf32>,
        %get3A_41 = vector.shape_cast %get3A_40 : vector<16xf32> to vector<16xf32>
        %get3A_42 = arith.constant 64 : index
        %get3A_43 = tpu.vector_load %arg5[%get3A_42] {strides = array<i32>} : memref<128xf32, #tpu.memory_space<vmem>>, vector<16xf32>,
        %get3A_44 = vector.shape_cast %get3A_43 : vector<16xf32> to vector<16xf32>
        %get3A_45 = arith.constant 80 : index
        %get3A_46 = tpu.vector_load %arg5[%get3A_45] {strides = array<i32>} : memref<128xf32, #tpu.memory_space<vmem>>, vector<16xf32>,
        %get3A_47 = vector.shape_cast %get3A_46 : vector<16xf32> to vector<16xf32>
        %get3A_48 = arith.constant 96 : index
        %get3A_49 = tpu.vector_load %arg5[%get3A_48] {strides = array<i32>} : memref<128xf32, #tpu.memory_space<vmem>>, vector<16xf32>,
        %get3A_50 = vector.shape_cast %get3A_49 : vector<16xf32> to vector<16xf32>
        %get3A_51 = arith.constant 112 : index
        %get3A_52 = tpu.vector_load %arg5[%get3A_51] {strides = array<i32>} : memref<128xf32, #tpu.memory_space<vmem>>, vector<16xf32>,
        %get3A_53 = vector.shape_cast %get3A_52 : vector<16xf32> to vector<16xf32>
        %max3A = arith.maximumf %get3A_32, %get3A_35 : vector<16xf32>
        %max3A_54 = arith.maximumf %max3A, %get3A_38 : vector<16xf32>
        %max3A_55 = arith.maximumf %max3A_54, %get3A_41 : vector<16xf32>
        %max3A_56 = arith.maximumf %max3A_55, %get3A_44 : vector<16xf32>
        %max3A_57 = arith.maximumf %max3A_56, %get3A_47 : vector<16xf32>
        %max3A_58 = arith.maximumf %max3A_57, %get3A_50 : vector<16xf32>
        %max3A_59 = arith.maximumf %max3A_58, %get3A_53 : vector<16xf32>
        %slice3A = vector.extract_strided_slice %max3A_59 {offsets = [0], sizes = [1], strides = [1]} : vector<16xf32> to vector<1xf32>
        %squeeze3A = vector.extract %slice3A[0] : f32 from vector<1xf32>
        %slice3A_60 = vector.extract_strided_slice %max3A_59 {offsets = [1], sizes = [1], strides = [1]} : vector<16xf32> to vector<1xf32>
        %squeeze3A_61 = vector.extract %slice3A_60[0] : f32 from vector<1xf32>
        %slice3A_62 = vector.extract_strided_slice %max3A_59 {offsets = [2], sizes = [1], strides = [1]} : vector<16xf32> to vector<1xf32>
        %squeeze3A_63 = vector.extract %slice3A_62[0] : f32 from vector<1xf32>
        %slice3A_64 = vector.extract_strided_slice %max3A_59 {offsets = [3], sizes = [1], strides = [1]} : vector<16xf32> to vector<1xf32>
        %squeeze3A_65 = vector.extract %slice3A_64[0] : f32 from vector<1xf32>
        %slice3A_66 = vector.extract_strided_slice %max3A_59 {offsets = [4], sizes = [1], strides = [1]} : vector<16xf32> to vector<1xf32>
        %squeeze3A_67 = vector.extract %slice3A_66[0] : f32 from vector<1xf32>
        %slice3A_68 = vector.extract_strided_slice %max3A_59 {offsets = [5], sizes = [1], strides = [1]} : vector<16xf32> to vector<1xf32>
        %squeeze3A_69 = vector.extract %slice3A_68[0] : f32 from vector<1xf32>
        %slice3A_70 = vector.extract_strided_slice %max3A_59 {offsets = [6], sizes = [1], strides = [1]} : vector<16xf32> to vector<1xf32>
        %squeeze3A_71 = vector.extract %slice3A_70[0] : f32 from vector<1xf32>
        %slice3A_72 = vector.extract_strided_slice %max3A_59 {offsets = [7], sizes = [1], strides = [1]} : vector<16xf32> to vector<1xf32>
        %squeeze3A_73 = vector.extract %slice3A_72[0] : f32 from vector<1xf32>
        %slice3A_74 = vector.extract_strided_slice %max3A_59 {offsets = [8], sizes = [1], strides = [1]} : vector<16xf32> to vector<1xf32>
        %squeeze3A_75 = vector.extract %slice3A_74[0] : f32 from vector<1xf32>
        %slice3A_76 = vector.extract_strided_slice %max3A_59 {offsets = [9], sizes = [1], strides = [1]} : vector<16xf32> to vector<1xf32>
        %squeeze3A_77 = vector.extract %slice3A_76[0] : f32 from vector<1xf32>
        %slice3A_78 = vector.extract_strided_slice %max3A_59 {offsets = [10], sizes = [1], strides = [1]} : vector<16xf32> to vector<1xf32>
        %squeeze3A_79 = vector.extract %slice3A_78[0] : f32 from vector<1xf32>
        %slice3A_80 = vector.extract_strided_slice %max3A_59 {offsets = [11], sizes = [1], strides = [1]} : vector<16xf32> to vector<1xf32>
        %squeeze3A_81 = vector.extract %slice3A_80[0] : f32 from vector<1xf32>
        %slice3A_82 = vector.extract_strided_slice %max3A_59 {offsets = [12], sizes = [1], strides = [1]} : vector<16xf32> to vector<1xf32>
        %squeeze3A_83 = vector.extract %slice3A_82[0] : f32 from vector<1xf32>
        %slice3A_84 = vector.extract_strided_slice %max3A_59 {offsets = [13], sizes = [1], strides = [1]} : vector<16xf32> to vector<1xf32>
        %squeeze3A_85 = vector.extract %slice3A_84[0] : f32 from vector<1xf32>
        %slice3A_86 = vector.extract_strided_slice %max3A_59 {offsets = [14], sizes = [1], strides = [1]} : vector<16xf32> to vector<1xf32>
        %squeeze3A_87 = vector.extract %slice3A_86[0] : f32 from vector<1xf32>
        %slice3A_88 = vector.extract_strided_slice %max3A_59 {offsets = [15], sizes = [1], strides = [1]} : vector<16xf32> to vector<1xf32>
        %squeeze3A_89 = vector.extract %slice3A_88[0] : f32 from vector<1xf32>
        %max3A_90 = arith.maximumf %squeeze3A, %squeeze3A_61 : f32
        %max3A_91 = arith.maximumf %squeeze3A_63, %squeeze3A_65 : f32
        %max3A_92 = arith.maximumf %squeeze3A_67, %squeeze3A_69 : f32
        %max3A_93 = arith.maximumf %squeeze3A_71, %squeeze3A_73 : f32
        %max3A_94 = arith.maximumf %squeeze3A_75, %squeeze3A_77 : f32
        %max3A_95 = arith.maximumf %squeeze3A_79, %squeeze3A_81 : f32
        %max3A_96 = arith.maximumf %squeeze3A_83, %squeeze3A_85 : f32
        %max3A_97 = arith.maximumf %squeeze3A_87, %squeeze3A_89 : f32
        %max3A_98 = arith.maximumf %max3A_90, %max3A_91 : f32
        %max3A_99 = arith.maximumf %max3A_92, %max3A_93 : f32
        %max3A_100 = arith.maximumf %max3A_94, %max3A_95 : f32
        %max3A_101 = arith.maximumf %max3A_96, %max3A_97 : f32
        %max3A_102 = arith.maximumf %max3A_98, %max3A_99 : f32
        %max3A_103 = arith.maximumf %max3A_100, %max3A_101 : f32
        %max3A_104 = arith.maximumf %max3A_102, %max3A_103 : f32
        %eq3A = vector.broadcast %max3A_104 : f32 to vector<16xf32>
        %eq3A_105 = arith.cmpf oeq, %get3A_32, %eq3A : vector<16xf32>
        %jit3A = arith.constant 100000 : i32
        %broadcast_in_dim3A_106 = vector.broadcast %jit3A : i32 to vector<16xi32>
        %select_n3A = arith.select %eq3A_105, %iota3A, %broadcast_in_dim3A_106 : vector<16xi1>, vector<16xi32>
        %eq3A_107 = vector.broadcast %max3A_104 : f32 to vector<16xf32>
        %eq3A_108 = arith.cmpf oeq, %get3A_35, %eq3A_107 : vector<16xf32>
        %add3A_109 = arith.constant 16 : i32
        %add3A_110 = vector.broadcast %add3A_109 : i32 to vector<16xi32>
        %add3A_111 = arith.addi %add3A_110, %iota3A : vector<16xi32>
        %jit3A_112 = arith.constant 100000 : i32
        %broadcast_in_dim3A_113 = vector.broadcast %jit3A_112 : i32 to vector<16xi32>
        %select_n3A_114 = arith.select %eq3A_108, %add3A_111, %broadcast_in_dim3A_113 : vector<16xi1>, vector<16xi32>
        %min3A = arith.minsi %select_n3A, %select_n3A_114 : vector<16xi32>
        %eq3A_115 = vector.broadcast %max3A_104 : f32 to vector<16xf32>
        %eq3A_116 = arith.cmpf oeq, %get3A_38, %eq3A_115 : vector<16xf32>
        %add3A_117 = arith.constant 32 : i32
        %add3A_118 = vector.broadcast %add3A_117 : i32 to vector<16xi32>
        %add3A_119 = arith.addi %add3A_118, %iota3A : vector<16xi32>
        %jit3A_120 = arith.constant 100000 : i32
        %broadcast_in_dim3A_121 = vector.broadcast %jit3A_120 : i32 to vector<16xi32>
        %select_n3A_122 = arith.select %eq3A_116, %add3A_119, %broadcast_in_dim3A_121 : vector<16xi1>, vector<16xi32>
        %min3A_123 = arith.minsi %min3A, %select_n3A_122 : vector<16xi32>
        %eq3A_124 = vector.broadcast %max3A_104 : f32 to vector<16xf32>
        %eq3A_125 = arith.cmpf oeq, %get3A_41, %eq3A_124 : vector<16xf32>
        %add3A_126 = arith.constant 48 : i32
        %add3A_127 = vector.broadcast %add3A_126 : i32 to vector<16xi32>
        %add3A_128 = arith.addi %add3A_127, %iota3A : vector<16xi32>
        %jit3A_129 = arith.constant 100000 : i32
        %broadcast_in_dim3A_130 = vector.broadcast %jit3A_129 : i32 to vector<16xi32>
        %select_n3A_131 = arith.select %eq3A_125, %add3A_128, %broadcast_in_dim3A_130 : vector<16xi1>, vector<16xi32>
        %min3A_132 = arith.minsi %min3A_123, %select_n3A_131 : vector<16xi32>
        %eq3A_133 = vector.broadcast %max3A_104 : f32 to vector<16xf32>
        %eq3A_134 = arith.cmpf oeq, %get3A_44, %eq3A_133 : vector<16xf32>
        %add3A_135 = arith.constant 64 : i32
        %add3A_136 = vector.broadcast %add3A_135 : i32 to vector<16xi32>
        %add3A_137 = arith.addi %add3A_136, %iota3A : vector<16xi32>
        %jit3A_138 = arith.constant 100000 : i32
        %broadcast_in_dim3A_139 = vector.broadcast %jit3A_138 : i32 to vector<16xi32>
        %select_n3A_140 = arith.select %eq3A_134, %add3A_137, %broadcast_in_dim3A_139 : vector<16xi1>, vector<16xi32>
        %min3A_141 = arith.minsi %min3A_132, %select_n3A_140 : vector<16xi32>
        %eq3A_142 = vector.broadcast %max3A_104 : f32 to vector<16xf32>
        %eq3A_143 = arith.cmpf oeq, %get3A_47, %eq3A_142 : vector<16xf32>
        %add3A_144 = arith.constant 80 : i32
        %add3A_145 = vector.broadcast %add3A_144 : i32 to vector<16xi32>
        %add3A_146 = arith.addi %add3A_145, %iota3A : vector<16xi32>
        %jit3A_147 = arith.constant 100000 : i32
        %broadcast_in_dim3A_148 = vector.broadcast %jit3A_147 : i32 to vector<16xi32>
        %select_n3A_149 = arith.select %eq3A_143, %add3A_146, %broadcast_in_dim3A_148 : vector<16xi1>, vector<16xi32>
        %min3A_150 = arith.minsi %min3A_141, %select_n3A_149 : vector<16xi32>
        %eq3A_151 = vector.broadcast %max3A_104 : f32 to vector<16xf32>
        %eq3A_152 = arith.cmpf oeq, %get3A_50, %eq3A_151 : vector<16xf32>
        %add3A_153 = arith.constant 96 : i32
        %add3A_154 = vector.broadcast %add3A_153 : i32 to vector<16xi32>
        %add3A_155 = arith.addi %add3A_154, %iota3A : vector<16xi32>
        %jit3A_156 = arith.constant 100000 : i32
        %broadcast_in_dim3A_157 = vector.broadcast %jit3A_156 : i32 to vector<16xi32>
        %select_n3A_158 = arith.select %eq3A_152, %add3A_155, %broadcast_in_dim3A_157 : vector<16xi1>, vector<16xi32>
        %min3A_159 = arith.minsi %min3A_150, %select_n3A_158 : vector<16xi32>
        %eq3A_160 = vector.broadcast %max3A_104 : f32 to vector<16xf32>
        %eq3A_161 = arith.cmpf oeq, %get3A_53, %eq3A_160 : vector<16xf32>
        %add3A_162 = arith.constant 112 : i32
        %add3A_163 = vector.broadcast %add3A_162 : i32 to vector<16xi32>
        %add3A_164 = arith.addi %add3A_163, %iota3A : vector<16xi32>
        %jit3A_165 = arith.constant 100000 : i32
        %broadcast_in_dim3A_166 = vector.broadcast %jit3A_165 : i32 to vector<16xi32>
        %select_n3A_167 = arith.select %eq3A_161, %add3A_164, %broadcast_in_dim3A_166 : vector<16xi1>, vector<16xi32>
        %min3A_168 = arith.minsi %min3A_159, %select_n3A_167 : vector<16xi32>
        %slice3A_169 = vector.extract_strided_slice %min3A_168 {offsets = [0], sizes = [1], strides = [1]} : vector<16xi32> to vector<1xi32>
        %squeeze3A_170 = vector.extract %slice3A_169[0] : i32 from vector<1xi32>
        %slice3A_171 = vector.extract_strided_slice %min3A_168 {offsets = [1], sizes = [1], strides = [1]} : vector<16xi32> to vector<1xi32>
        %squeeze3A_172 = vector.extract %slice3A_171[0] : i32 from vector<1xi32>
        %slice3A_173 = vector.extract_strided_slice %min3A_168 {offsets = [2], sizes = [1], strides = [1]} : vector<16xi32> to vector<1xi32>
        %squeeze3A_174 = vector.extract %slice3A_173[0] : i32 from vector<1xi32>
        %slice3A_175 = vector.extract_strided_slice %min3A_168 {offsets = [3], sizes = [1], strides = [1]} : vector<16xi32> to vector<1xi32>
        %squeeze3A_176 = vector.extract %slice3A_175[0] : i32 from vector<1xi32>
        %slice3A_177 = vector.extract_strided_slice %min3A_168 {offsets = [4], sizes = [1], strides = [1]} : vector<16xi32> to vector<1xi32>
        %squeeze3A_178 = vector.extract %slice3A_177[0] : i32 from vector<1xi32>
        %slice3A_179 = vector.extract_strided_slice %min3A_168 {offsets = [5], sizes = [1], strides = [1]} : vector<16xi32> to vector<1xi32>
        %squeeze3A_180 = vector.extract %slice3A_179[0] : i32 from vector<1xi32>
        %slice3A_181 = vector.extract_strided_slice %min3A_168 {offsets = [6], sizes = [1], strides = [1]} : vector<16xi32> to vector<1xi32>
        %squeeze3A_182 = vector.extract %slice3A_181[0] : i32 from vector<1xi32>
        %slice3A_183 = vector.extract_strided_slice %min3A_168 {offsets = [7], sizes = [1], strides = [1]} : vector<16xi32> to vector<1xi32>
        %squeeze3A_184 = vector.extract %slice3A_183[0] : i32 from vector<1xi32>
        %slice3A_185 = vector.extract_strided_slice %min3A_168 {offsets = [8], sizes = [1], strides = [1]} : vector<16xi32> to vector<1xi32>
        %squeeze3A_186 = vector.extract %slice3A_185[0] : i32 from vector<1xi32>
        %slice3A_187 = vector.extract_strided_slice %min3A_168 {offsets = [9], sizes = [1], strides = [1]} : vector<16xi32> to vector<1xi32>
        %squeeze3A_188 = vector.extract %slice3A_187[0] : i32 from vector<1xi32>
        %slice3A_189 = vector.extract_strided_slice %min3A_168 {offsets = [10], sizes = [1], strides = [1]} : vector<16xi32> to vector<1xi32>
        %squeeze3A_190 = vector.extract %slice3A_189[0] : i32 from vector<1xi32>
        %slice3A_191 = vector.extract_strided_slice %min3A_168 {offsets = [11], sizes = [1], strides = [1]} : vector<16xi32> to vector<1xi32>
        %squeeze3A_192 = vector.extract %slice3A_191[0] : i32 from vector<1xi32>
        %slice3A_193 = vector.extract_strided_slice %min3A_168 {offsets = [12], sizes = [1], strides = [1]} : vector<16xi32> to vector<1xi32>
        %squeeze3A_194 = vector.extract %slice3A_193[0] : i32 from vector<1xi32>
        %slice3A_195 = vector.extract_strided_slice %min3A_168 {offsets = [13], sizes = [1], strides = [1]} : vector<16xi32> to vector<1xi32>
        %squeeze3A_196 = vector.extract %slice3A_195[0] : i32 from vector<1xi32>
        %slice3A_197 = vector.extract_strided_slice %min3A_168 {offsets = [14], sizes = [1], strides = [1]} : vector<16xi32> to vector<1xi32>
        %squeeze3A_198 = vector.extract %slice3A_197[0] : i32 from vector<1xi32>
        %slice3A_199 = vector.extract_strided_slice %min3A_168 {offsets = [15], sizes = [1], strides = [1]} : vector<16xi32> to vector<1xi32>
        %squeeze3A_200 = vector.extract %slice3A_199[0] : i32 from vector<1xi32>
        %min3A_201 = arith.minsi %squeeze3A_170, %squeeze3A_172 : i32
        %min3A_202 = arith.minsi %squeeze3A_174, %squeeze3A_176 : i32
        %min3A_203 = arith.minsi %squeeze3A_178, %squeeze3A_180 : i32
        %min3A_204 = arith.minsi %squeeze3A_182, %squeeze3A_184 : i32
        %min3A_205 = arith.minsi %squeeze3A_186, %squeeze3A_188 : i32
        %min3A_206 = arith.minsi %squeeze3A_190, %squeeze3A_192 : i32
        %min3A_207 = arith.minsi %squeeze3A_194, %squeeze3A_196 : i32
        %min3A_208 = arith.minsi %squeeze3A_198, %squeeze3A_200 : i32
        %min3A_209 = arith.minsi %min3A_201, %min3A_202 : i32
        %min3A_210 = arith.minsi %min3A_203, %min3A_204 : i32
        %min3A_211 = arith.minsi %min3A_205, %min3A_206 : i32
        %min3A_212 = arith.minsi %min3A_207, %min3A_208 : i32
        %min3A_213 = arith.minsi %min3A_209, %min3A_210 : i32
        %min3A_214 = arith.minsi %min3A_211, %min3A_212 : i32
        %min3A_215 = arith.minsi %min3A_213, %min3A_214 : i32
        %mul3A_216 = arith.constant 16 : i32
        %mul3A_217 = arith.muli %min3A_215, %mul3A_216 : i32
        %get3A_218 = arith.index_cast %mul3A_217 : i32 to index
        %get3A_219 = tpu.vector_load %arg4[%get3A_218] {strides = array<i32>} : memref<2048xf32, #tpu.memory_space<vmem>>, vector<16xf32>,
        %get3A_220 = vector.shape_cast %get3A_219 : vector<16xf32> to vector<16xf32>
        %eq3A_221 = vector.broadcast %max3A_104 : f32 to vector<16xf32>
        %eq3A_222 = arith.cmpf oeq, %get3A_220, %eq3A_221 : vector<16xf32>
        %jit3A_223 = arith.constant 100000 : i32
        %broadcast_in_dim3A_224 = vector.broadcast %jit3A_223 : i32 to vector<16xi32>
        %select_n3A_225 = arith.select %eq3A_222, %iota3A, %broadcast_in_dim3A_224 : vector<16xi1>, vector<16xi32>
        %slice3A_226 = vector.extract_strided_slice %select_n3A_225 {offsets = [0], sizes = [1], strides = [1]} : vector<16xi32> to vector<1xi32>
        %squeeze3A_227 = vector.extract %slice3A_226[0] : i32 from vector<1xi32>
        %slice3A_228 = vector.extract_strided_slice %select_n3A_225 {offsets = [1], sizes = [1], strides = [1]} : vector<16xi32> to vector<1xi32>
        %squeeze3A_229 = vector.extract %slice3A_228[0] : i32 from vector<1xi32>
        %slice3A_230 = vector.extract_strided_slice %select_n3A_225 {offsets = [2], sizes = [1], strides = [1]} : vector<16xi32> to vector<1xi32>
        %squeeze3A_231 = vector.extract %slice3A_230[0] : i32 from vector<1xi32>
        %slice3A_232 = vector.extract_strided_slice %select_n3A_225 {offsets = [3], sizes = [1], strides = [1]} : vector<16xi32> to vector<1xi32>
        %squeeze3A_233 = vector.extract %slice3A_232[0] : i32 from vector<1xi32>
        %slice3A_234 = vector.extract_strided_slice %select_n3A_225 {offsets = [4], sizes = [1], strides = [1]} : vector<16xi32> to vector<1xi32>
        %squeeze3A_235 = vector.extract %slice3A_234[0] : i32 from vector<1xi32>
        %slice3A_236 = vector.extract_strided_slice %select_n3A_225 {offsets = [5], sizes = [1], strides = [1]} : vector<16xi32> to vector<1xi32>
        %squeeze3A_237 = vector.extract %slice3A_236[0] : i32 from vector<1xi32>
        %slice3A_238 = vector.extract_strided_slice %select_n3A_225 {offsets = [6], sizes = [1], strides = [1]} : vector<16xi32> to vector<1xi32>
        %squeeze3A_239 = vector.extract %slice3A_238[0] : i32 from vector<1xi32>
        %slice3A_240 = vector.extract_strided_slice %select_n3A_225 {offsets = [7], sizes = [1], strides = [1]} : vector<16xi32> to vector<1xi32>
        %squeeze3A_241 = vector.extract %slice3A_240[0] : i32 from vector<1xi32>
        %slice3A_242 = vector.extract_strided_slice %select_n3A_225 {offsets = [8], sizes = [1], strides = [1]} : vector<16xi32> to vector<1xi32>
        %squeeze3A_243 = vector.extract %slice3A_242[0] : i32 from vector<1xi32>
        %slice3A_244 = vector.extract_strided_slice %select_n3A_225 {offsets = [9], sizes = [1], strides = [1]} : vector<16xi32> to vector<1xi32>
        %squeeze3A_245 = vector.extract %slice3A_244[0] : i32 from vector<1xi32>
        %slice3A_246 = vector.extract_strided_slice %select_n3A_225 {offsets = [10], sizes = [1], strides = [1]} : vector<16xi32> to vector<1xi32>
        %squeeze3A_247 = vector.extract %slice3A_246[0] : i32 from vector<1xi32>
        %slice3A_248 = vector.extract_strided_slice %select_n3A_225 {offsets = [11], sizes = [1], strides = [1]} : vector<16xi32> to vector<1xi32>
        %squeeze3A_249 = vector.extract %slice3A_248[0] : i32 from vector<1xi32>
        %slice3A_250 = vector.extract_strided_slice %select_n3A_225 {offsets = [12], sizes = [1], strides = [1]} : vector<16xi32> to vector<1xi32>
        %squeeze3A_251 = vector.extract %slice3A_250[0] : i32 from vector<1xi32>
        %slice3A_252 = vector.extract_strided_slice %select_n3A_225 {offsets = [13], sizes = [1], strides = [1]} : vector<16xi32> to vector<1xi32>
        %squeeze3A_253 = vector.extract %slice3A_252[0] : i32 from vector<1xi32>
        %slice3A_254 = vector.extract_strided_slice %select_n3A_225 {offsets = [14], sizes = [1], strides = [1]} : vector<16xi32> to vector<1xi32>
        %squeeze3A_255 = vector.extract %slice3A_254[0] : i32 from vector<1xi32>
        %slice3A_256 = vector.extract_strided_slice %select_n3A_225 {offsets = [15], sizes = [1], strides = [1]} : vector<16xi32> to vector<1xi32>
        %squeeze3A_257 = vector.extract %slice3A_256[0] : i32 from vector<1xi32>
        %min3A_258 = arith.minsi %squeeze3A_227, %squeeze3A_229 : i32
        %min3A_259 = arith.minsi %squeeze3A_231, %squeeze3A_233 : i32
        %min3A_260 = arith.minsi %squeeze3A_235, %squeeze3A_237 : i32
        %min3A_261 = arith.minsi %squeeze3A_239, %squeeze3A_241 : i32
        %min3A_262 = arith.minsi %squeeze3A_243, %squeeze3A_245 : i32
        %min3A_263 = arith.minsi %squeeze3A_247, %squeeze3A_249 : i32
        %min3A_264 = arith.minsi %squeeze3A_251, %squeeze3A_253 : i32
        %min3A_265 = arith.minsi %squeeze3A_255, %squeeze3A_257 : i32
        %min3A_266 = arith.minsi %min3A_258, %min3A_259 : i32
        %min3A_267 = arith.minsi %min3A_260, %min3A_261 : i32
        %min3A_268 = arith.minsi %min3A_262, %min3A_263 : i32
        %min3A_269 = arith.minsi %min3A_264, %min3A_265 : i32
        %min3A_270 = arith.minsi %min3A_266, %min3A_267 : i32
        %min3A_271 = arith.minsi %min3A_268, %min3A_269 : i32
        %min3A_272 = arith.minsi %min3A_270, %min3A_271 : i32
        %mul3A_273 = arith.constant 16 : i32
        %mul3A_274 = arith.muli %min3A_215, %mul3A_273 : i32
        %add3A_275 = arith.addi %mul3A_274, %min3A_272 : i32
        %eq3A_276 = vector.broadcast %scan3A_28 : i32 to vector<16xi32>
        %eq3A_277 = arith.cmpi eq, %iota3A, %eq3A_276 : vector<16xi32>
        %broadcast_in_dim3A_278 = vector.broadcast %add3A_275 : i32 to vector<16xi32>
        %select_n3A_279 = arith.select %eq3A_277, %broadcast_in_dim3A_278, %scan3A_29 : vector<16xi1>, vector<16xi32>
        %sub3A = arith.constant 16 : i32
        %sub3A_280 = arith.subi %scan3A_28, %sub3A : i32
        %eq3A_281 = vector.broadcast %sub3A_280 : i32 to vector<16xi32>
        %eq3A_282 = arith.cmpi eq, %iota3A, %eq3A_281 : vector<16xi32>
        %broadcast_in_dim3A_283 = vector.broadcast %add3A_275 : i32 to vector<16xi32>
        %select_n3A_284 = arith.select %eq3A_282, %broadcast_in_dim3A_283, %scan3A_30 : vector<16xi1>, vector<16xi32>
        %eq3A_285 = vector.broadcast %min3A_272 : i32 to vector<16xi32>
        %eq3A_286 = arith.cmpi eq, %iota3A, %eq3A_285 : vector<16xi32>
        %jit3A_287 = arith.constant -1.000000e+30 : f32
        %broadcast_in_dim3A_288 = vector.broadcast %jit3A_287 : f32 to vector<16xf32>
        %select_n3A_289 = arith.select %eq3A_286, %broadcast_in_dim3A_288, %get3A_220 : vector<16xi1>, vector<16xf32>
        %mul3A_290 = arith.constant 16 : i32
        %mul3A_291 = arith.muli %min3A_215, %mul3A_290 : i32
        %swap3A_292 = arith.index_cast %mul3A_291 : i32 to index
        %swap3A_293 = tpu.vector_load %arg4[%swap3A_292] {strides = array<i32>} : memref<2048xf32, #tpu.memory_space<vmem>>, vector<16xf32>,
        %swap3A_294 = vector.shape_cast %swap3A_293 : vector<16xf32> to vector<16xf32>
        %swap3A_295 = vector.shape_cast %select_n3A_289 : vector<16xf32> to vector<16xf32>
        tpu.vector_store %arg4[%swap3A_292], %swap3A_295 {strides = array<i32>} : memref<2048xf32, #tpu.memory_space<vmem>>, vector<16xf32>,
        %slice3A_296 = vector.extract_strided_slice %select_n3A_289 {offsets = [0], sizes = [1], strides = [1]} : vector<16xf32> to vector<1xf32>
        %squeeze3A_297 = vector.extract %slice3A_296[0] : f32 from vector<1xf32>
        %slice3A_298 = vector.extract_strided_slice %select_n3A_289 {offsets = [1], sizes = [1], strides = [1]} : vector<16xf32> to vector<1xf32>
        %squeeze3A_299 = vector.extract %slice3A_298[0] : f32 from vector<1xf32>
        %slice3A_300 = vector.extract_strided_slice %select_n3A_289 {offsets = [2], sizes = [1], strides = [1]} : vector<16xf32> to vector<1xf32>
        %squeeze3A_301 = vector.extract %slice3A_300[0] : f32 from vector<1xf32>
        %slice3A_302 = vector.extract_strided_slice %select_n3A_289 {offsets = [3], sizes = [1], strides = [1]} : vector<16xf32> to vector<1xf32>
        %squeeze3A_303 = vector.extract %slice3A_302[0] : f32 from vector<1xf32>
        %slice3A_304 = vector.extract_strided_slice %select_n3A_289 {offsets = [4], sizes = [1], strides = [1]} : vector<16xf32> to vector<1xf32>
        %squeeze3A_305 = vector.extract %slice3A_304[0] : f32 from vector<1xf32>
        %slice3A_306 = vector.extract_strided_slice %select_n3A_289 {offsets = [5], sizes = [1], strides = [1]} : vector<16xf32> to vector<1xf32>
        %squeeze3A_307 = vector.extract %slice3A_306[0] : f32 from vector<1xf32>
        %slice3A_308 = vector.extract_strided_slice %select_n3A_289 {offsets = [6], sizes = [1], strides = [1]} : vector<16xf32> to vector<1xf32>
        %squeeze3A_309 = vector.extract %slice3A_308[0] : f32 from vector<1xf32>
        %slice3A_310 = vector.extract_strided_slice %select_n3A_289 {offsets = [7], sizes = [1], strides = [1]} : vector<16xf32> to vector<1xf32>
        %squeeze3A_311 = vector.extract %slice3A_310[0] : f32 from vector<1xf32>
        %slice3A_312 = vector.extract_strided_slice %select_n3A_289 {offsets = [8], sizes = [1], strides = [1]} : vector<16xf32> to vector<1xf32>
        %squeeze3A_313 = vector.extract %slice3A_312[0] : f32 from vector<1xf32>
        %slice3A_314 = vector.extract_strided_slice %select_n3A_289 {offsets = [9], sizes = [1], strides = [1]} : vector<16xf32> to vector<1xf32>
        %squeeze3A_315 = vector.extract %slice3A_314[0] : f32 from vector<1xf32>
        %slice3A_316 = vector.extract_strided_slice %select_n3A_289 {offsets = [10], sizes = [1], strides = [1]} : vector<16xf32> to vector<1xf32>
        %squeeze3A_317 = vector.extract %slice3A_316[0] : f32 from vector<1xf32>
        %slice3A_318 = vector.extract_strided_slice %select_n3A_289 {offsets = [11], sizes = [1], strides = [1]} : vector<16xf32> to vector<1xf32>
        %squeeze3A_319 = vector.extract %slice3A_318[0] : f32 from vector<1xf32>
        %slice3A_320 = vector.extract_strided_slice %select_n3A_289 {offsets = [12], sizes = [1], strides = [1]} : vector<16xf32> to vector<1xf32>
        %squeeze3A_321 = vector.extract %slice3A_320[0] : f32 from vector<1xf32>
        %slice3A_322 = vector.extract_strided_slice %select_n3A_289 {offsets = [13], sizes = [1], strides = [1]} : vector<16xf32> to vector<1xf32>
        %squeeze3A_323 = vector.extract %slice3A_322[0] : f32 from vector<1xf32>
        %slice3A_324 = vector.extract_strided_slice %select_n3A_289 {offsets = [14], sizes = [1], strides = [1]} : vector<16xf32> to vector<1xf32>
        %squeeze3A_325 = vector.extract %slice3A_324[0] : f32 from vector<1xf32>
        %slice3A_326 = vector.extract_strided_slice %select_n3A_289 {offsets = [15], sizes = [1], strides = [1]} : vector<16xf32> to vector<1xf32>
        %squeeze3A_327 = vector.extract %slice3A_326[0] : f32 from vector<1xf32>
        %max3A_328 = arith.maximumf %squeeze3A_297, %squeeze3A_299 : f32
        %max3A_329 = arith.maximumf %squeeze3A_301, %squeeze3A_303 : f32
        %max3A_330 = arith.maximumf %squeeze3A_305, %squeeze3A_307 : f32
        %max3A_331 = arith.maximumf %squeeze3A_309, %squeeze3A_311 : f32
        %max3A_332 = arith.maximumf %squeeze3A_313, %squeeze3A_315 : f32
        %max3A_333 = arith.maximumf %squeeze3A_317, %squeeze3A_319 : f32
        %max3A_334 = arith.maximumf %squeeze3A_321, %squeeze3A_323 : f32
        %max3A_335 = arith.maximumf %squeeze3A_325, %squeeze3A_327 : f32
        %max3A_336 = arith.maximumf %max3A_328, %max3A_329 : f32
        %max3A_337 = arith.maximumf %max3A_330, %max3A_331 : f32
        %max3A_338 = arith.maximumf %max3A_332, %max3A_333 : f32
        %max3A_339 = arith.maximumf %max3A_334, %max3A_335 : f32
        %max3A_340 = arith.maximumf %max3A_336, %max3A_337 : f32
        %max3A_341 = arith.maximumf %max3A_338, %max3A_339 : f32
        %max3A_342 = arith.maximumf %max3A_340, %max3A_341 : f32
        %jit3A_343 = arith.constant 16 : i32
        %div3A = arith.divsi %min3A_215, %jit3A_343 : i32
        %sign3A = arith.constant 0 : i32
        %sign3A_344 = arith.cmpi sgt, %min3A_215, %sign3A : i32
        %sign3A_345 = arith.extui %sign3A_344 : i1 to i32
        %sign3A_346 = arith.constant 0 : i32
        %sign3A_347 = arith.cmpi slt, %min3A_215, %sign3A_346 : i32
        %sign3A_348 = arith.extui %sign3A_347 : i1 to i32
        %sign3A_349 = arith.subi %sign3A_345, %sign3A_348 : i32
        %sign3A_350 = arith.constant 0 : i32
        %sign3A_351 = arith.cmpi sgt, %jit3A_343, %sign3A_350 : i32
        %sign3A_352 = arith.extui %sign3A_351 : i1 to i32
        %sign3A_353 = arith.constant 0 : i32
        %sign3A_354 = arith.cmpi slt, %jit3A_343, %sign3A_353 : i32
        %sign3A_355 = arith.extui %sign3A_354 : i1 to i32
        %sign3A_356 = arith.subi %sign3A_352, %sign3A_355 : i32
        %ne3A = arith.cmpi ne, %sign3A_349, %sign3A_356 : i32
        %rem3A = arith.remsi %min3A_215, %jit3A_343 : i32
        %ne3A_357 = arith.constant 0 : i32
        %ne3A_358 = arith.cmpi ne, %rem3A, %ne3A_357 : i32
        %and3A = arith.andi %ne3A, %ne3A_358 : i1
        %sub3A_359 = arith.constant 1 : i32
        %sub3A_360 = arith.subi %div3A, %sub3A_359 : i32
        %select_n3A_361 = arith.select %and3A, %sub3A_360, %div3A : i32
        %mul3A_362 = arith.constant 16 : i32
        %mul3A_363 = arith.muli %select_n3A_361, %mul3A_362 : i32
        %get3A_364 = arith.index_cast %mul3A_363 : i32 to index
        %get3A_365 = tpu.vector_load %arg5[%get3A_364] {strides = array<i32>} : memref<128xf32, #tpu.memory_space<vmem>>, vector<16xf32>,
        %get3A_366 = vector.shape_cast %get3A_365 : vector<16xf32> to vector<16xf32>
        %jit3A_367 = arith.constant 16 : i32
        %eq3A_368 = arith.constant 0 : i32
        %eq3A_369 = arith.cmpi eq, %jit3A_367, %eq3A_368 : i32
        %jit3A_370 = arith.constant 1 : i32
        %select_n3A_371 = arith.select %eq3A_369, %jit3A_370, %jit3A_367 : i32
        %rem3A_372 = arith.remsi %min3A_215, %select_n3A_371 : i32
        %ne3A_373 = arith.constant 0 : i32
        %ne3A_374 = arith.cmpi ne, %rem3A_372, %ne3A_373 : i32
        %lt3A_375 = arith.constant 0 : i32
        %lt3A_376 = arith.cmpi slt, %rem3A_372, %lt3A_375 : i32
        %lt3A_377 = arith.constant 0 : i32
        %lt3A_378 = arith.cmpi slt, %select_n3A_371, %lt3A_377 : i32
        %ne3A_379 = arith.xori %lt3A_376, %lt3A_378 : i1
        %and3A_380 = arith.andi %ne3A_379, %ne3A_374 : i1
        %add3A_381 = arith.addi %rem3A_372, %select_n3A_371 : i32
        %select_n3A_382 = arith.select %and3A_380, %add3A_381, %rem3A_372 : i32
        %eq3A_383 = vector.broadcast %select_n3A_382 : i32 to vector<16xi32>
        %eq3A_384 = arith.cmpi eq, %iota3A, %eq3A_383 : vector<16xi32>
        %broadcast_in_dim3A_385 = vector.broadcast %max3A_342 : f32 to vector<16xf32>
        %select_n3A_386 = arith.select %eq3A_384, %broadcast_in_dim3A_385, %get3A_366 : vector<16xi1>, vector<16xf32>
        %swap3A_387 = arith.index_cast %mul3A_363 : i32 to index
        %swap3A_388 = tpu.vector_load %arg5[%swap3A_387] {strides = array<i32>} : memref<128xf32, #tpu.memory_space<vmem>>, vector<16xf32>,
        %swap3A_389 = vector.shape_cast %swap3A_388 : vector<16xf32> to vector<16xf32>
        %swap3A_390 = vector.shape_cast %select_n3A_386 : vector<16xf32> to vector<16xf32>
        tpu.vector_store %arg5[%swap3A_387], %swap3A_390 {strides = array<i32>} : memref<128xf32, #tpu.memory_space<vmem>>, vector<16xf32>,
        scf.yield %select_n3A_279, %select_n3A_284 : vector<16xi32>, vector<16xi32>
      }
      %scan3A_18 = arith.constant 32 : i32
      %swap3A = arith.constant 0 : index
      %swap3A_19 = tpu.vector_load %arg6[%swap3A] {strides = array<i32>} : memref<32xi32, #tpu.memory_space<vmem>>, vector<16xi32>,
      %swap3A_20 = vector.shape_cast %swap3A_19 : vector<16xi32> to vector<16xi32>
      %swap3A_21 = vector.shape_cast %scan3A_17#0 : vector<16xi32> to vector<16xi32>
      tpu.vector_store %arg6[%swap3A], %swap3A_21 {strides = array<i32>} : memref<32xi32, #tpu.memory_space<vmem>>, vector<16xi32>,
      %swap3A_22 = arith.constant 16 : index
      %swap3A_23 = tpu.vector_load %arg6[%swap3A_22] {strides = array<i32>} : memref<32xi32, #tpu.memory_space<vmem>>, vector<16xi32>,
      %swap3A_24 = vector.shape_cast %swap3A_23 : vector<16xi32> to vector<16xi32>
      %swap3A_25 = vector.shape_cast %scan3A_17#1 : vector<16xi32> to vector<16xi32>
      tpu.vector_store %arg6[%swap3A_22], %swap3A_25 {strides = array<i32>} : memref<32xi32, #tpu.memory_space<vmem>>, vector<16xi32>,
      %mul3A_26 = arith.constant 32 : i32
      %mul3A_27 = arith.muli %add3A, %mul3A_26 : i32
      "tpu.region"() ({
        %run_scoped3A = tpu.sem_alloc : memref<!tpu.dma_semaphore, #tpu.memory_space<semaphore_mem>>
        %dma_start3A = tpu.memref_slice %arg3[%mul3A_27] : memref<512xi32, #tpu.memory_space<hbm>> -> memref<32xi32, #tpu.memory_space<hbm>>
        %dma_start3A_28 = tpu.memref_slice %arg3[%mul3A_27] : memref<512xi32, #tpu.memory_space<hbm>> -> memref<32xi32, #tpu.memory_space<hbm>>
        tpu.enqueue_dma source(%arg6 : memref<32xi32, #tpu.memory_space<vmem>>) target(%dma_start3A_28 : memref<32xi32, #tpu.memory_space<hbm>>) target_semaphore(%run_scoped3A : memref<!tpu.dma_semaphore, #tpu.memory_space<semaphore_mem>>)
        %dma_wait3A = tpu.memref_slice %arg3[%mul3A_27] : memref<512xi32, #tpu.memory_space<hbm>> -> memref<32xi32, #tpu.memory_space<hbm>>
        %dma_wait3A_29 = tpu.memref_slice %arg3[%mul3A_27] : memref<512xi32, #tpu.memory_space<hbm>> -> memref<32xi32, #tpu.memory_space<hbm>>
        tpu.wait_dma2 semaphore(%run_scoped3A : memref<!tpu.dma_semaphore, #tpu.memory_space<semaphore_mem>>) src(%arg6 : memref<32xi32, #tpu.memory_space<vmem>>) dst(%dma_wait3A_29 : memref<32xi32, #tpu.memory_space<hbm>>)
        tpu.yield
      }) : () -> ()
    } else {
    }
    return
  }
}

module attributes {stable_mosaic.version = 14 : i64} {
  func.func @_k1_body(%arg0: i32, %arg1: memref<512x256xf32, #tpu.memory_space<vmem>>, %arg2: memref<256x256xf32, #tpu.memory_space<vmem>>, %arg3: memref<1x256xf32, #tpu.memory_space<vmem>>, %arg4: memref<256x256xf32, #tpu.memory_space<vmem>>, %arg5: memref<1x256xf32, #tpu.memory_space<vmem>>, %arg6: memref<256x256xf32, #tpu.memory_space<vmem>>, %arg7: memref<1x256xf32, #tpu.memory_space<vmem>>, %arg8: memref<2048x2048xi8, #tpu.memory_space<vmem>>, %arg9: memref<2048x64xbf16, #tpu.memory_space<vmem>>, %arg10: memref<2048x64xbf16, #tpu.memory_space<vmem>>, %arg11: memref<2048x64xbf16, #tpu.memory_space<vmem>>, %arg12: memref<1x16x128xf32, #tpu.memory_space<vmem>>, %arg13: memref<1x1x64xf32, #tpu.memory_space<vmem>>) attributes {dimension_semantics = [#tpu.dimension_semantics<arbitrary>], iteration_bounds = array<i64: 16>, scalar_prefetch = 0 : i64, scratch_operands = 0 : i64, tpu.core_type = #tpu.core_type<tc>, window_params = [{transform_indices = @transform_0, window_bounds = array<i64: 512, 256>}, {pipeline_mode = #tpu.pipeline_mode<synchronous>, transform_indices = @transform_1, window_bounds = array<i64: 256, 256>}, {pipeline_mode = #tpu.pipeline_mode<synchronous>, transform_indices = @transform_2, window_bounds = array<i64: 1, 256>}, {pipeline_mode = #tpu.pipeline_mode<synchronous>, transform_indices = @transform_3, window_bounds = array<i64: 256, 256>}, {pipeline_mode = #tpu.pipeline_mode<synchronous>, transform_indices = @transform_4, window_bounds = array<i64: 1, 256>}, {pipeline_mode = #tpu.pipeline_mode<synchronous>, transform_indices = @transform_5, window_bounds = array<i64: 256, 256>}, {pipeline_mode = #tpu.pipeline_mode<synchronous>, transform_indices = @transform_6, window_bounds = array<i64: 1, 256>}, {pipeline_mode = #tpu.pipeline_mode<synchronous>, transform_indices = @transform_7, window_bounds = array<i64: 2048, 2048>}, {transform_indices = @transform_8, window_bounds = array<i64: 2048, 64>}, {transform_indices = @transform_9, window_bounds = array<i64: 2048, 64>}, {transform_indices = @transform_10, window_bounds = array<i64: 2048, 64>}, {transform_indices = @transform_11, window_bounds = array<i64: 1, 16, 128>}, {transform_indices = @transform_12, window_bounds = array<i64: 1, 1, 64>}]} {
    %get3A = arith.constant 0 : index
    %get3A_0 = arith.constant 0 : index
    %get3A_1 = vector.load %arg1[%get3A, %get3A_0] : memref<512x256xf32, #tpu.memory_space<vmem>>, vector<512x256xf32>
    %get3A_2 = arith.constant 0 : index
    %get3A_3 = arith.constant 0 : index
    %get3A_4 = vector.load %arg2[%get3A_2, %get3A_3] : memref<256x256xf32, #tpu.memory_space<vmem>>, vector<256x256xf32>
    %dot_general3A = arith.constant dense<0.000000e+00> : vector<512x256xf32>
    %dot_general3A_5 = tpu.matmul %get3A_1, %get3A_4, %dot_general3A {dimension_numbers = #tpu.dot_dimension_numbers<[1], [1], [0], [0], [0, 0, 1, 0], [], []>, transpose_lhs_hint = false} : vector<512x256xf32>, vector<256x256xf32>, vector<512x256xf32> -> vector<512x256xf32>
    %get3A_6 = arith.constant 0 : index
    %get3A_7 = arith.constant 0 : index
    %get3A_8 = vector.load %arg3[%get3A_6, %get3A_7] : memref<1x256xf32, #tpu.memory_space<vmem>>, vector<1x256xf32>
    %add3A = vector.broadcast %get3A_8 : vector<1x256xf32> to vector<512x256xf32>
    %add3A_9 = arith.addf %dot_general3A_5, %add3A : vector<512x256xf32>
    %slice3A = vector.extract_strided_slice %add3A_9 {offsets = [0, 0], sizes = [512, 64], strides = [1, 1]} : vector<512x256xf32> to vector<512x64xf32>
    %slice3A_10 = vector.extract_strided_slice %add3A_9 {offsets = [0, 64], sizes = [512, 64], strides = [1, 1]} : vector<512x256xf32> to vector<512x64xf32>
    %slice3A_11 = vector.extract_strided_slice %add3A_9 {offsets = [0, 128], sizes = [512, 64], strides = [1, 1]} : vector<512x256xf32> to vector<512x64xf32>
    %slice3A_12 = vector.extract_strided_slice %add3A_9 {offsets = [0, 192], sizes = [512, 64], strides = [1, 1]} : vector<512x256xf32> to vector<512x64xf32>
    %concatenate3A = tpu.concatenate %slice3A, %slice3A_10, %slice3A_11, %slice3A_12 in 0 : vector<512x64xf32>, vector<512x64xf32>, vector<512x64xf32>, vector<512x64xf32> -> vector<2048x64xf32>
    %get3A_13 = arith.constant 0 : index
    %get3A_14 = arith.constant 0 : index
    %get3A_15 = vector.load %arg4[%get3A_13, %get3A_14] : memref<256x256xf32, #tpu.memory_space<vmem>>, vector<256x256xf32>
    %dot_general3A_16 = arith.constant dense<0.000000e+00> : vector<512x256xf32>
    %dot_general3A_17 = tpu.matmul %get3A_1, %get3A_15, %dot_general3A_16 {dimension_numbers = #tpu.dot_dimension_numbers<[1], [1], [0], [0], [0, 0, 1, 0], [], []>, transpose_lhs_hint = false} : vector<512x256xf32>, vector<256x256xf32>, vector<512x256xf32> -> vector<512x256xf32>
    %get3A_18 = arith.constant 0 : index
    %get3A_19 = arith.constant 0 : index
    %get3A_20 = vector.load %arg5[%get3A_18, %get3A_19] : memref<1x256xf32, #tpu.memory_space<vmem>>, vector<1x256xf32>
    %add3A_21 = vector.broadcast %get3A_20 : vector<1x256xf32> to vector<512x256xf32>
    %add3A_22 = arith.addf %dot_general3A_17, %add3A_21 : vector<512x256xf32>
    %slice3A_23 = vector.extract_strided_slice %add3A_22 {offsets = [0, 0], sizes = [512, 64], strides = [1, 1]} : vector<512x256xf32> to vector<512x64xf32>
    %slice3A_24 = vector.extract_strided_slice %add3A_22 {offsets = [0, 64], sizes = [512, 64], strides = [1, 1]} : vector<512x256xf32> to vector<512x64xf32>
    %slice3A_25 = vector.extract_strided_slice %add3A_22 {offsets = [0, 128], sizes = [512, 64], strides = [1, 1]} : vector<512x256xf32> to vector<512x64xf32>
    %slice3A_26 = vector.extract_strided_slice %add3A_22 {offsets = [0, 192], sizes = [512, 64], strides = [1, 1]} : vector<512x256xf32> to vector<512x64xf32>
    %concatenate3A_27 = tpu.concatenate %slice3A_23, %slice3A_24, %slice3A_25, %slice3A_26 in 0 : vector<512x64xf32>, vector<512x64xf32>, vector<512x64xf32>, vector<512x64xf32> -> vector<2048x64xf32>
    %get3A_28 = arith.constant 0 : index
    %get3A_29 = arith.constant 0 : index
    %get3A_30 = vector.load %arg6[%get3A_28, %get3A_29] : memref<256x256xf32, #tpu.memory_space<vmem>>, vector<256x256xf32>
    %dot_general3A_31 = arith.constant dense<0.000000e+00> : vector<512x256xf32>
    %dot_general3A_32 = tpu.matmul %get3A_1, %get3A_30, %dot_general3A_31 {dimension_numbers = #tpu.dot_dimension_numbers<[1], [1], [0], [0], [0, 0, 1, 0], [], []>, transpose_lhs_hint = false} : vector<512x256xf32>, vector<256x256xf32>, vector<512x256xf32> -> vector<512x256xf32>
    %get3A_33 = arith.constant 0 : index
    %get3A_34 = arith.constant 0 : index
    %get3A_35 = vector.load %arg7[%get3A_33, %get3A_34] : memref<1x256xf32, #tpu.memory_space<vmem>>, vector<1x256xf32>
    %add3A_36 = vector.broadcast %get3A_35 : vector<1x256xf32> to vector<512x256xf32>
    %add3A_37 = arith.addf %dot_general3A_32, %add3A_36 : vector<512x256xf32>
    %slice3A_38 = vector.extract_strided_slice %add3A_37 {offsets = [0, 0], sizes = [512, 64], strides = [1, 1]} : vector<512x256xf32> to vector<512x64xf32>
    %slice3A_39 = vector.extract_strided_slice %add3A_37 {offsets = [0, 64], sizes = [512, 64], strides = [1, 1]} : vector<512x256xf32> to vector<512x64xf32>
    %slice3A_40 = vector.extract_strided_slice %add3A_37 {offsets = [0, 128], sizes = [512, 64], strides = [1, 1]} : vector<512x256xf32> to vector<512x64xf32>
    %slice3A_41 = vector.extract_strided_slice %add3A_37 {offsets = [0, 192], sizes = [512, 64], strides = [1, 1]} : vector<512x256xf32> to vector<512x64xf32>
    %concatenate3A_42 = tpu.concatenate %slice3A_38, %slice3A_39, %slice3A_40, %slice3A_41 in 0 : vector<512x64xf32>, vector<512x64xf32>, vector<512x64xf32>, vector<512x64xf32> -> vector<2048x64xf32>
    %convert_element_type3A = arith.truncf %concatenate3A : vector<2048x64xf32> to vector<2048x64xbf16>
    %swap3A = arith.constant 0 : index
    %swap3A_43 = arith.constant 0 : index
    %swap3A_44 = vector.load %arg9[%swap3A, %swap3A_43] : memref<2048x64xbf16, #tpu.memory_space<vmem>>, vector<2048x64xbf16>
    tpu.vector_store %arg9[%swap3A, %swap3A_43], %convert_element_type3A {strides = array<i32>} : memref<2048x64xbf16, #tpu.memory_space<vmem>>, vector<2048x64xbf16>,
    %convert_element_type3A_45 = arith.truncf %concatenate3A_27 : vector<2048x64xf32> to vector<2048x64xbf16>
    %swap3A_46 = arith.constant 0 : index
    %swap3A_47 = arith.constant 0 : index
    %swap3A_48 = vector.load %arg10[%swap3A_46, %swap3A_47] : memref<2048x64xbf16, #tpu.memory_space<vmem>>, vector<2048x64xbf16>
    tpu.vector_store %arg10[%swap3A_46, %swap3A_47], %convert_element_type3A_45 {strides = array<i32>} : memref<2048x64xbf16, #tpu.memory_space<vmem>>, vector<2048x64xbf16>,
    %convert_element_type3A_49 = arith.truncf %concatenate3A_42 : vector<2048x64xf32> to vector<2048x64xbf16>
    %swap3A_50 = arith.constant 0 : index
    %swap3A_51 = arith.constant 0 : index
    %swap3A_52 = vector.load %arg11[%swap3A_50, %swap3A_51] : memref<2048x64xbf16, #tpu.memory_space<vmem>>, vector<2048x64xbf16>
    tpu.vector_store %arg11[%swap3A_50, %swap3A_51], %convert_element_type3A_49 {strides = array<i32>} : memref<2048x64xbf16, #tpu.memory_space<vmem>>, vector<2048x64xbf16>,
    %reduce_sum3A = arith.constant dense<0.000000e+00> : vector<64xf32>
    %reduce_sum3A_53 = vector.multi_reduction <add>, %concatenate3A_42, %reduce_sum3A [0] : vector<2048x64xf32> to vector<64xf32>
    %broadcast_in_dim3A = vector.shape_cast %reduce_sum3A_53 : vector<64xf32> to vector<1x64xf32>
    %reshape3A = vector.shape_cast %broadcast_in_dim3A : vector<1x64xf32> to vector<1x1x64xf32>
    %swap3A_54 = arith.constant 0 : index
    %swap3A_55 = arith.constant 0 : index
    %swap3A_56 = arith.constant 0 : index
    %swap3A_57 = vector.load %arg13[%swap3A_54, %swap3A_55, %swap3A_56] : memref<1x1x64xf32, #tpu.memory_space<vmem>>, vector<1x1x64xf32>
    tpu.vector_store %arg13[%swap3A_54, %swap3A_55, %swap3A_56], %reshape3A {strides = array<i32>} : memref<1x1x64xf32, #tpu.memory_space<vmem>>, vector<1x1x64xf32>,
    %slice3A_58 = vector.extract_strided_slice %concatenate3A {offsets = [0, 0], sizes = [128, 64], strides = [1, 1]} : vector<2048x64xf32> to vector<128x64xf32>
    %dot_general3A_59 = arith.constant dense<0.000000e+00> : vector<2048x128xf32>
    %dot_general3A_60 = tpu.matmul %concatenate3A_27, %slice3A_58, %dot_general3A_59 {dimension_numbers = #tpu.dot_dimension_numbers<[1], [1], [0], [0], [0, 0, 1, 0], [], []>, transpose_lhs_hint = false} : vector<2048x64xf32>, vector<128x64xf32>, vector<2048x128xf32> -> vector<2048x128xf32>
    %get3A_61 = arith.constant 0 : index
    %get3A_62 = arith.constant 0 : index
    %get3A_63 = vector.load %arg8[%get3A_61, %get3A_62] : memref<2048x2048xi8, #tpu.memory_space<vmem>>, vector<2048x128xi8>
    %convert_element_type3A_64 = arith.sitofp %get3A_63 : vector<2048x128xi8> to vector<2048x128xf32>
    %gt3A = arith.constant 0.000000e+00 : f32
    %gt3A_65 = vector.broadcast %gt3A : f32 to vector<2048x128xf32>
    %gt3A_66 = arith.cmpf ogt, %convert_element_type3A_64, %gt3A_65 : vector<2048x128xf32>
    %jit3A = arith.constant -1.000000e+30 : f32
    %broadcast_in_dim3A_67 = vector.broadcast %jit3A : f32 to vector<2048x128xf32>
    %select_n3A = arith.select %gt3A_66, %dot_general3A_60, %broadcast_in_dim3A_67 : vector<2048x128xi1>, vector<2048x128xf32>
    %reduce_max3A = arith.constant dense<0xFF800000> : vector<128xf32>
    %reduce_max3A_68 = vector.multi_reduction <maximumf>, %select_n3A, %reduce_max3A [0] : vector<2048x128xf32> to vector<128xf32>
    %broadcast_in_dim3A_69 = vector.shape_cast %reduce_max3A_68 : vector<128xf32> to vector<1x128xf32>
    %mul3A = arith.mulf %dot_general3A_60, %convert_element_type3A_64 : vector<2048x128xf32>
    %reduce_sum3A_70 = arith.constant dense<0.000000e+00> : vector<128xf32>
    %reduce_sum3A_71 = vector.multi_reduction <add>, %mul3A, %reduce_sum3A_70 [0] : vector<2048x128xf32> to vector<128xf32>
    %broadcast_in_dim3A_72 = vector.shape_cast %reduce_sum3A_71 : vector<128xf32> to vector<1x128xf32>
    %mul3A_73 = arith.constant 4.8828125E-4 : f32
    %mul3A_74 = vector.broadcast %mul3A_73 : f32 to vector<1x128xf32>
    %mul3A_75 = arith.mulf %broadcast_in_dim3A_72, %mul3A_74 : vector<1x128xf32>
    %sub3A = arith.subf %broadcast_in_dim3A_69, %mul3A_75 : vector<1x128xf32>
    %slice3A_76 = vector.extract_strided_slice %concatenate3A {offsets = [128, 0], sizes = [128, 64], strides = [1, 1]} : vector<2048x64xf32> to vector<128x64xf32>
    %dot_general3A_77 = arith.constant dense<0.000000e+00> : vector<2048x128xf32>
    %dot_general3A_78 = tpu.matmul %concatenate3A_27, %slice3A_76, %dot_general3A_77 {dimension_numbers = #tpu.dot_dimension_numbers<[1], [1], [0], [0], [0, 0, 1, 0], [], []>, transpose_lhs_hint = false} : vector<2048x64xf32>, vector<128x64xf32>, vector<2048x128xf32> -> vector<2048x128xf32>
    %get3A_79 = arith.constant 0 : index
    %get3A_80 = arith.constant 128 : index
    %get3A_81 = vector.load %arg8[%get3A_79, %get3A_80] : memref<2048x2048xi8, #tpu.memory_space<vmem>>, vector<2048x128xi8>
    %convert_element_type3A_82 = arith.sitofp %get3A_81 : vector<2048x128xi8> to vector<2048x128xf32>
    %gt3A_83 = arith.constant 0.000000e+00 : f32
    %gt3A_84 = vector.broadcast %gt3A_83 : f32 to vector<2048x128xf32>
    %gt3A_85 = arith.cmpf ogt, %convert_element_type3A_82, %gt3A_84 : vector<2048x128xf32>
    %jit3A_86 = arith.constant -1.000000e+30 : f32
    %broadcast_in_dim3A_87 = vector.broadcast %jit3A_86 : f32 to vector<2048x128xf32>
    %select_n3A_88 = arith.select %gt3A_85, %dot_general3A_78, %broadcast_in_dim3A_87 : vector<2048x128xi1>, vector<2048x128xf32>
    %reduce_max3A_89 = arith.constant dense<0xFF800000> : vector<128xf32>
    %reduce_max3A_90 = vector.multi_reduction <maximumf>, %select_n3A_88, %reduce_max3A_89 [0] : vector<2048x128xf32> to vector<128xf32>
    %broadcast_in_dim3A_91 = vector.shape_cast %reduce_max3A_90 : vector<128xf32> to vector<1x128xf32>
    %mul3A_92 = arith.mulf %dot_general3A_78, %convert_element_type3A_82 : vector<2048x128xf32>
    %reduce_sum3A_93 = arith.constant dense<0.000000e+00> : vector<128xf32>
    %reduce_sum3A_94 = vector.multi_reduction <add>, %mul3A_92, %reduce_sum3A_93 [0] : vector<2048x128xf32> to vector<128xf32>
    %broadcast_in_dim3A_95 = vector.shape_cast %reduce_sum3A_94 : vector<128xf32> to vector<1x128xf32>
    %mul3A_96 = arith.constant 4.8828125E-4 : f32
    %mul3A_97 = vector.broadcast %mul3A_96 : f32 to vector<1x128xf32>
    %mul3A_98 = arith.mulf %broadcast_in_dim3A_95, %mul3A_97 : vector<1x128xf32>
    %sub3A_99 = arith.subf %broadcast_in_dim3A_91, %mul3A_98 : vector<1x128xf32>
    %slice3A_100 = vector.extract_strided_slice %concatenate3A {offsets = [256, 0], sizes = [128, 64], strides = [1, 1]} : vector<2048x64xf32> to vector<128x64xf32>
    %dot_general3A_101 = arith.constant dense<0.000000e+00> : vector<2048x128xf32>
    %dot_general3A_102 = tpu.matmul %concatenate3A_27, %slice3A_100, %dot_general3A_101 {dimension_numbers = #tpu.dot_dimension_numbers<[1], [1], [0], [0], [0, 0, 1, 0], [], []>, transpose_lhs_hint = false} : vector<2048x64xf32>, vector<128x64xf32>, vector<2048x128xf32> -> vector<2048x128xf32>
    %get3A_103 = arith.constant 0 : index
    %get3A_104 = arith.constant 256 : index
    %get3A_105 = vector.load %arg8[%get3A_103, %get3A_104] : memref<2048x2048xi8, #tpu.memory_space<vmem>>, vector<2048x128xi8>
    %convert_element_type3A_106 = arith.sitofp %get3A_105 : vector<2048x128xi8> to vector<2048x128xf32>
    %gt3A_107 = arith.constant 0.000000e+00 : f32
    %gt3A_108 = vector.broadcast %gt3A_107 : f32 to vector<2048x128xf32>
    %gt3A_109 = arith.cmpf ogt, %convert_element_type3A_106, %gt3A_108 : vector<2048x128xf32>
    %jit3A_110 = arith.constant -1.000000e+30 : f32
    %broadcast_in_dim3A_111 = vector.broadcast %jit3A_110 : f32 to vector<2048x128xf32>
    %select_n3A_112 = arith.select %gt3A_109, %dot_general3A_102, %broadcast_in_dim3A_111 : vector<2048x128xi1>, vector<2048x128xf32>
    %reduce_max3A_113 = arith.constant dense<0xFF800000> : vector<128xf32>
    %reduce_max3A_114 = vector.multi_reduction <maximumf>, %select_n3A_112, %reduce_max3A_113 [0] : vector<2048x128xf32> to vector<128xf32>
    %broadcast_in_dim3A_115 = vector.shape_cast %reduce_max3A_114 : vector<128xf32> to vector<1x128xf32>
    %mul3A_116 = arith.mulf %dot_general3A_102, %convert_element_type3A_106 : vector<2048x128xf32>
    %reduce_sum3A_117 = arith.constant dense<0.000000e+00> : vector<128xf32>
    %reduce_sum3A_118 = vector.multi_reduction <add>, %mul3A_116, %reduce_sum3A_117 [0] : vector<2048x128xf32> to vector<128xf32>
    %broadcast_in_dim3A_119 = vector.shape_cast %reduce_sum3A_118 : vector<128xf32> to vector<1x128xf32>
    %mul3A_120 = arith.constant 4.8828125E-4 : f32
    %mul3A_121 = vector.broadcast %mul3A_120 : f32 to vector<1x128xf32>
    %mul3A_122 = arith.mulf %broadcast_in_dim3A_119, %mul3A_121 : vector<1x128xf32>
    %sub3A_123 = arith.subf %broadcast_in_dim3A_115, %mul3A_122 : vector<1x128xf32>
    %slice3A_124 = vector.extract_strided_slice %concatenate3A {offsets = [384, 0], sizes = [128, 64], strides = [1, 1]} : vector<2048x64xf32> to vector<128x64xf32>
    %dot_general3A_125 = arith.constant dense<0.000000e+00> : vector<2048x128xf32>
    %dot_general3A_126 = tpu.matmul %concatenate3A_27, %slice3A_124, %dot_general3A_125 {dimension_numbers = #tpu.dot_dimension_numbers<[1], [1], [0], [0], [0, 0, 1, 0], [], []>, transpose_lhs_hint = false} : vector<2048x64xf32>, vector<128x64xf32>, vector<2048x128xf32> -> vector<2048x128xf32>
    %get3A_127 = arith.constant 0 : index
    %get3A_128 = arith.constant 384 : index
    %get3A_129 = vector.load %arg8[%get3A_127, %get3A_128] : memref<2048x2048xi8, #tpu.memory_space<vmem>>, vector<2048x128xi8>
    %convert_element_type3A_130 = arith.sitofp %get3A_129 : vector<2048x128xi8> to vector<2048x128xf32>
    %gt3A_131 = arith.constant 0.000000e+00 : f32
    %gt3A_132 = vector.broadcast %gt3A_131 : f32 to vector<2048x128xf32>
    %gt3A_133 = arith.cmpf ogt, %convert_element_type3A_130, %gt3A_132 : vector<2048x128xf32>
    %jit3A_134 = arith.constant -1.000000e+30 : f32
    %broadcast_in_dim3A_135 = vector.broadcast %jit3A_134 : f32 to vector<2048x128xf32>
    %select_n3A_136 = arith.select %gt3A_133, %dot_general3A_126, %broadcast_in_dim3A_135 : vector<2048x128xi1>, vector<2048x128xf32>
    %reduce_max3A_137 = arith.constant dense<0xFF800000> : vector<128xf32>
    %reduce_max3A_138 = vector.multi_reduction <maximumf>, %select_n3A_136, %reduce_max3A_137 [0] : vector<2048x128xf32> to vector<128xf32>
    %broadcast_in_dim3A_139 = vector.shape_cast %reduce_max3A_138 : vector<128xf32> to vector<1x128xf32>
    %mul3A_140 = arith.mulf %dot_general3A_126, %convert_element_type3A_130 : vector<2048x128xf32>
    %reduce_sum3A_141 = arith.constant dense<0.000000e+00> : vector<128xf32>
    %reduce_sum3A_142 = vector.multi_reduction <add>, %mul3A_140, %reduce_sum3A_141 [0] : vector<2048x128xf32> to vector<128xf32>
    %broadcast_in_dim3A_143 = vector.shape_cast %reduce_sum3A_142 : vector<128xf32> to vector<1x128xf32>
    %mul3A_144 = arith.constant 4.8828125E-4 : f32
    %mul3A_145 = vector.broadcast %mul3A_144 : f32 to vector<1x128xf32>
    %mul3A_146 = arith.mulf %broadcast_in_dim3A_143, %mul3A_145 : vector<1x128xf32>
    %sub3A_147 = arith.subf %broadcast_in_dim3A_139, %mul3A_146 : vector<1x128xf32>
    %slice3A_148 = vector.extract_strided_slice %concatenate3A {offsets = [512, 0], sizes = [128, 64], strides = [1, 1]} : vector<2048x64xf32> to vector<128x64xf32>
    %dot_general3A_149 = arith.constant dense<0.000000e+00> : vector<2048x128xf32>
    %dot_general3A_150 = tpu.matmul %concatenate3A_27, %slice3A_148, %dot_general3A_149 {dimension_numbers = #tpu.dot_dimension_numbers<[1], [1], [0], [0], [0, 0, 1, 0], [], []>, transpose_lhs_hint = false} : vector<2048x64xf32>, vector<128x64xf32>, vector<2048x128xf32> -> vector<2048x128xf32>
    %get3A_151 = arith.constant 0 : index
    %get3A_152 = arith.constant 512 : index
    %get3A_153 = vector.load %arg8[%get3A_151, %get3A_152] : memref<2048x2048xi8, #tpu.memory_space<vmem>>, vector<2048x128xi8>
    %convert_element_type3A_154 = arith.sitofp %get3A_153 : vector<2048x128xi8> to vector<2048x128xf32>
    %gt3A_155 = arith.constant 0.000000e+00 : f32
    %gt3A_156 = vector.broadcast %gt3A_155 : f32 to vector<2048x128xf32>
    %gt3A_157 = arith.cmpf ogt, %convert_element_type3A_154, %gt3A_156 : vector<2048x128xf32>
    %jit3A_158 = arith.constant -1.000000e+30 : f32
    %broadcast_in_dim3A_159 = vector.broadcast %jit3A_158 : f32 to vector<2048x128xf32>
    %select_n3A_160 = arith.select %gt3A_157, %dot_general3A_150, %broadcast_in_dim3A_159 : vector<2048x128xi1>, vector<2048x128xf32>
    %reduce_max3A_161 = arith.constant dense<0xFF800000> : vector<128xf32>
    %reduce_max3A_162 = vector.multi_reduction <maximumf>, %select_n3A_160, %reduce_max3A_161 [0] : vector<2048x128xf32> to vector<128xf32>
    %broadcast_in_dim3A_163 = vector.shape_cast %reduce_max3A_162 : vector<128xf32> to vector<1x128xf32>
    %mul3A_164 = arith.mulf %dot_general3A_150, %convert_element_type3A_154 : vector<2048x128xf32>
    %reduce_sum3A_165 = arith.constant dense<0.000000e+00> : vector<128xf32>
    %reduce_sum3A_166 = vector.multi_reduction <add>, %mul3A_164, %reduce_sum3A_165 [0] : vector<2048x128xf32> to vector<128xf32>
    %broadcast_in_dim3A_167 = vector.shape_cast %reduce_sum3A_166 : vector<128xf32> to vector<1x128xf32>
    %mul3A_168 = arith.constant 4.8828125E-4 : f32
    %mul3A_169 = vector.broadcast %mul3A_168 : f32 to vector<1x128xf32>
    %mul3A_170 = arith.mulf %broadcast_in_dim3A_167, %mul3A_169 : vector<1x128xf32>
    %sub3A_171 = arith.subf %broadcast_in_dim3A_163, %mul3A_170 : vector<1x128xf32>
    %slice3A_172 = vector.extract_strided_slice %concatenate3A {offsets = [640, 0], sizes = [128, 64], strides = [1, 1]} : vector<2048x64xf32> to vector<128x64xf32>
    %dot_general3A_173 = arith.constant dense<0.000000e+00> : vector<2048x128xf32>
    %dot_general3A_174 = tpu.matmul %concatenate3A_27, %slice3A_172, %dot_general3A_173 {dimension_numbers = #tpu.dot_dimension_numbers<[1], [1], [0], [0], [0, 0, 1, 0], [], []>, transpose_lhs_hint = false} : vector<2048x64xf32>, vector<128x64xf32>, vector<2048x128xf32> -> vector<2048x128xf32>
    %get3A_175 = arith.constant 0 : index
    %get3A_176 = arith.constant 640 : index
    %get3A_177 = vector.load %arg8[%get3A_175, %get3A_176] : memref<2048x2048xi8, #tpu.memory_space<vmem>>, vector<2048x128xi8>
    %convert_element_type3A_178 = arith.sitofp %get3A_177 : vector<2048x128xi8> to vector<2048x128xf32>
    %gt3A_179 = arith.constant 0.000000e+00 : f32
    %gt3A_180 = vector.broadcast %gt3A_179 : f32 to vector<2048x128xf32>
    %gt3A_181 = arith.cmpf ogt, %convert_element_type3A_178, %gt3A_180 : vector<2048x128xf32>
    %jit3A_182 = arith.constant -1.000000e+30 : f32
    %broadcast_in_dim3A_183 = vector.broadcast %jit3A_182 : f32 to vector<2048x128xf32>
    %select_n3A_184 = arith.select %gt3A_181, %dot_general3A_174, %broadcast_in_dim3A_183 : vector<2048x128xi1>, vector<2048x128xf32>
    %reduce_max3A_185 = arith.constant dense<0xFF800000> : vector<128xf32>
    %reduce_max3A_186 = vector.multi_reduction <maximumf>, %select_n3A_184, %reduce_max3A_185 [0] : vector<2048x128xf32> to vector<128xf32>
    %broadcast_in_dim3A_187 = vector.shape_cast %reduce_max3A_186 : vector<128xf32> to vector<1x128xf32>
    %mul3A_188 = arith.mulf %dot_general3A_174, %convert_element_type3A_178 : vector<2048x128xf32>
    %reduce_sum3A_189 = arith.constant dense<0.000000e+00> : vector<128xf32>
    %reduce_sum3A_190 = vector.multi_reduction <add>, %mul3A_188, %reduce_sum3A_189 [0] : vector<2048x128xf32> to vector<128xf32>
    %broadcast_in_dim3A_191 = vector.shape_cast %reduce_sum3A_190 : vector<128xf32> to vector<1x128xf32>
    %mul3A_192 = arith.constant 4.8828125E-4 : f32
    %mul3A_193 = vector.broadcast %mul3A_192 : f32 to vector<1x128xf32>
    %mul3A_194 = arith.mulf %broadcast_in_dim3A_191, %mul3A_193 : vector<1x128xf32>
    %sub3A_195 = arith.subf %broadcast_in_dim3A_187, %mul3A_194 : vector<1x128xf32>
    %slice3A_196 = vector.extract_strided_slice %concatenate3A {offsets = [768, 0], sizes = [128, 64], strides = [1, 1]} : vector<2048x64xf32> to vector<128x64xf32>
    %dot_general3A_197 = arith.constant dense<0.000000e+00> : vector<2048x128xf32>
    %dot_general3A_198 = tpu.matmul %concatenate3A_27, %slice3A_196, %dot_general3A_197 {dimension_numbers = #tpu.dot_dimension_numbers<[1], [1], [0], [0], [0, 0, 1, 0], [], []>, transpose_lhs_hint = false} : vector<2048x64xf32>, vector<128x64xf32>, vector<2048x128xf32> -> vector<2048x128xf32>
    %get3A_199 = arith.constant 0 : index
    %get3A_200 = arith.constant 768 : index
    %get3A_201 = vector.load %arg8[%get3A_199, %get3A_200] : memref<2048x2048xi8, #tpu.memory_space<vmem>>, vector<2048x128xi8>
    %convert_element_type3A_202 = arith.sitofp %get3A_201 : vector<2048x128xi8> to vector<2048x128xf32>
    %gt3A_203 = arith.constant 0.000000e+00 : f32
    %gt3A_204 = vector.broadcast %gt3A_203 : f32 to vector<2048x128xf32>
    %gt3A_205 = arith.cmpf ogt, %convert_element_type3A_202, %gt3A_204 : vector<2048x128xf32>
    %jit3A_206 = arith.constant -1.000000e+30 : f32
    %broadcast_in_dim3A_207 = vector.broadcast %jit3A_206 : f32 to vector<2048x128xf32>
    %select_n3A_208 = arith.select %gt3A_205, %dot_general3A_198, %broadcast_in_dim3A_207 : vector<2048x128xi1>, vector<2048x128xf32>
    %reduce_max3A_209 = arith.constant dense<0xFF800000> : vector<128xf32>
    %reduce_max3A_210 = vector.multi_reduction <maximumf>, %select_n3A_208, %reduce_max3A_209 [0] : vector<2048x128xf32> to vector<128xf32>
    %broadcast_in_dim3A_211 = vector.shape_cast %reduce_max3A_210 : vector<128xf32> to vector<1x128xf32>
    %mul3A_212 = arith.mulf %dot_general3A_198, %convert_element_type3A_202 : vector<2048x128xf32>
    %reduce_sum3A_213 = arith.constant dense<0.000000e+00> : vector<128xf32>
    %reduce_sum3A_214 = vector.multi_reduction <add>, %mul3A_212, %reduce_sum3A_213 [0] : vector<2048x128xf32> to vector<128xf32>
    %broadcast_in_dim3A_215 = vector.shape_cast %reduce_sum3A_214 : vector<128xf32> to vector<1x128xf32>
    %mul3A_216 = arith.constant 4.8828125E-4 : f32
    %mul3A_217 = vector.broadcast %mul3A_216 : f32 to vector<1x128xf32>
    %mul3A_218 = arith.mulf %broadcast_in_dim3A_215, %mul3A_217 : vector<1x128xf32>
    %sub3A_219 = arith.subf %broadcast_in_dim3A_211, %mul3A_218 : vector<1x128xf32>
    %slice3A_220 = vector.extract_strided_slice %concatenate3A {offsets = [896, 0], sizes = [128, 64], strides = [1, 1]} : vector<2048x64xf32> to vector<128x64xf32>
    %dot_general3A_221 = arith.constant dense<0.000000e+00> : vector<2048x128xf32>
    %dot_general3A_222 = tpu.matmul %concatenate3A_27, %slice3A_220, %dot_general3A_221 {dimension_numbers = #tpu.dot_dimension_numbers<[1], [1], [0], [0], [0, 0, 1, 0], [], []>, transpose_lhs_hint = false} : vector<2048x64xf32>, vector<128x64xf32>, vector<2048x128xf32> -> vector<2048x128xf32>
    %get3A_223 = arith.constant 0 : index
    %get3A_224 = arith.constant 896 : index
    %get3A_225 = vector.load %arg8[%get3A_223, %get3A_224] : memref<2048x2048xi8, #tpu.memory_space<vmem>>, vector<2048x128xi8>
    %convert_element_type3A_226 = arith.sitofp %get3A_225 : vector<2048x128xi8> to vector<2048x128xf32>
    %gt3A_227 = arith.constant 0.000000e+00 : f32
    %gt3A_228 = vector.broadcast %gt3A_227 : f32 to vector<2048x128xf32>
    %gt3A_229 = arith.cmpf ogt, %convert_element_type3A_226, %gt3A_228 : vector<2048x128xf32>
    %jit3A_230 = arith.constant -1.000000e+30 : f32
    %broadcast_in_dim3A_231 = vector.broadcast %jit3A_230 : f32 to vector<2048x128xf32>
    %select_n3A_232 = arith.select %gt3A_229, %dot_general3A_222, %broadcast_in_dim3A_231 : vector<2048x128xi1>, vector<2048x128xf32>
    %reduce_max3A_233 = arith.constant dense<0xFF800000> : vector<128xf32>
    %reduce_max3A_234 = vector.multi_reduction <maximumf>, %select_n3A_232, %reduce_max3A_233 [0] : vector<2048x128xf32> to vector<128xf32>
    %broadcast_in_dim3A_235 = vector.shape_cast %reduce_max3A_234 : vector<128xf32> to vector<1x128xf32>
    %mul3A_236 = arith.mulf %dot_general3A_222, %convert_element_type3A_226 : vector<2048x128xf32>
    %reduce_sum3A_237 = arith.constant dense<0.000000e+00> : vector<128xf32>
    %reduce_sum3A_238 = vector.multi_reduction <add>, %mul3A_236, %reduce_sum3A_237 [0] : vector<2048x128xf32> to vector<128xf32>
    %broadcast_in_dim3A_239 = vector.shape_cast %reduce_sum3A_238 : vector<128xf32> to vector<1x128xf32>
    %mul3A_240 = arith.constant 4.8828125E-4 : f32
    %mul3A_241 = vector.broadcast %mul3A_240 : f32 to vector<1x128xf32>
    %mul3A_242 = arith.mulf %broadcast_in_dim3A_239, %mul3A_241 : vector<1x128xf32>
    %sub3A_243 = arith.subf %broadcast_in_dim3A_235, %mul3A_242 : vector<1x128xf32>
    %slice3A_244 = vector.extract_strided_slice %concatenate3A {offsets = [1024, 0], sizes = [128, 64], strides = [1, 1]} : vector<2048x64xf32> to vector<128x64xf32>
    %dot_general3A_245 = arith.constant dense<0.000000e+00> : vector<2048x128xf32>
    %dot_general3A_246 = tpu.matmul %concatenate3A_27, %slice3A_244, %dot_general3A_245 {dimension_numbers = #tpu.dot_dimension_numbers<[1], [1], [0], [0], [0, 0, 1, 0], [], []>, transpose_lhs_hint = false} : vector<2048x64xf32>, vector<128x64xf32>, vector<2048x128xf32> -> vector<2048x128xf32>
    %get3A_247 = arith.constant 0 : index
    %get3A_248 = arith.constant 1024 : index
    %get3A_249 = vector.load %arg8[%get3A_247, %get3A_248] : memref<2048x2048xi8, #tpu.memory_space<vmem>>, vector<2048x128xi8>
    %convert_element_type3A_250 = arith.sitofp %get3A_249 : vector<2048x128xi8> to vector<2048x128xf32>
    %gt3A_251 = arith.constant 0.000000e+00 : f32
    %gt3A_252 = vector.broadcast %gt3A_251 : f32 to vector<2048x128xf32>
    %gt3A_253 = arith.cmpf ogt, %convert_element_type3A_250, %gt3A_252 : vector<2048x128xf32>
    %jit3A_254 = arith.constant -1.000000e+30 : f32
    %broadcast_in_dim3A_255 = vector.broadcast %jit3A_254 : f32 to vector<2048x128xf32>
    %select_n3A_256 = arith.select %gt3A_253, %dot_general3A_246, %broadcast_in_dim3A_255 : vector<2048x128xi1>, vector<2048x128xf32>
    %reduce_max3A_257 = arith.constant dense<0xFF800000> : vector<128xf32>
    %reduce_max3A_258 = vector.multi_reduction <maximumf>, %select_n3A_256, %reduce_max3A_257 [0] : vector<2048x128xf32> to vector<128xf32>
    %broadcast_in_dim3A_259 = vector.shape_cast %reduce_max3A_258 : vector<128xf32> to vector<1x128xf32>
    %mul3A_260 = arith.mulf %dot_general3A_246, %convert_element_type3A_250 : vector<2048x128xf32>
    %reduce_sum3A_261 = arith.constant dense<0.000000e+00> : vector<128xf32>
    %reduce_sum3A_262 = vector.multi_reduction <add>, %mul3A_260, %reduce_sum3A_261 [0] : vector<2048x128xf32> to vector<128xf32>
    %broadcast_in_dim3A_263 = vector.shape_cast %reduce_sum3A_262 : vector<128xf32> to vector<1x128xf32>
    %mul3A_264 = arith.constant 4.8828125E-4 : f32
    %mul3A_265 = vector.broadcast %mul3A_264 : f32 to vector<1x128xf32>
    %mul3A_266 = arith.mulf %broadcast_in_dim3A_263, %mul3A_265 : vector<1x128xf32>
    %sub3A_267 = arith.subf %broadcast_in_dim3A_259, %mul3A_266 : vector<1x128xf32>
    %slice3A_268 = vector.extract_strided_slice %concatenate3A {offsets = [1152, 0], sizes = [128, 64], strides = [1, 1]} : vector<2048x64xf32> to vector<128x64xf32>
    %dot_general3A_269 = arith.constant dense<0.000000e+00> : vector<2048x128xf32>
    %dot_general3A_270 = tpu.matmul %concatenate3A_27, %slice3A_268, %dot_general3A_269 {dimension_numbers = #tpu.dot_dimension_numbers<[1], [1], [0], [0], [0, 0, 1, 0], [], []>, transpose_lhs_hint = false} : vector<2048x64xf32>, vector<128x64xf32>, vector<2048x128xf32> -> vector<2048x128xf32>
    %get3A_271 = arith.constant 0 : index
    %get3A_272 = arith.constant 1152 : index
    %get3A_273 = vector.load %arg8[%get3A_271, %get3A_272] : memref<2048x2048xi8, #tpu.memory_space<vmem>>, vector<2048x128xi8>
    %convert_element_type3A_274 = arith.sitofp %get3A_273 : vector<2048x128xi8> to vector<2048x128xf32>
    %gt3A_275 = arith.constant 0.000000e+00 : f32
    %gt3A_276 = vector.broadcast %gt3A_275 : f32 to vector<2048x128xf32>
    %gt3A_277 = arith.cmpf ogt, %convert_element_type3A_274, %gt3A_276 : vector<2048x128xf32>
    %jit3A_278 = arith.constant -1.000000e+30 : f32
    %broadcast_in_dim3A_279 = vector.broadcast %jit3A_278 : f32 to vector<2048x128xf32>
    %select_n3A_280 = arith.select %gt3A_277, %dot_general3A_270, %broadcast_in_dim3A_279 : vector<2048x128xi1>, vector<2048x128xf32>
    %reduce_max3A_281 = arith.constant dense<0xFF800000> : vector<128xf32>
    %reduce_max3A_282 = vector.multi_reduction <maximumf>, %select_n3A_280, %reduce_max3A_281 [0] : vector<2048x128xf32> to vector<128xf32>
    %broadcast_in_dim3A_283 = vector.shape_cast %reduce_max3A_282 : vector<128xf32> to vector<1x128xf32>
    %mul3A_284 = arith.mulf %dot_general3A_270, %convert_element_type3A_274 : vector<2048x128xf32>
    %reduce_sum3A_285 = arith.constant dense<0.000000e+00> : vector<128xf32>
    %reduce_sum3A_286 = vector.multi_reduction <add>, %mul3A_284, %reduce_sum3A_285 [0] : vector<2048x128xf32> to vector<128xf32>
    %broadcast_in_dim3A_287 = vector.shape_cast %reduce_sum3A_286 : vector<128xf32> to vector<1x128xf32>
    %mul3A_288 = arith.constant 4.8828125E-4 : f32
    %mul3A_289 = vector.broadcast %mul3A_288 : f32 to vector<1x128xf32>
    %mul3A_290 = arith.mulf %broadcast_in_dim3A_287, %mul3A_289 : vector<1x128xf32>
    %sub3A_291 = arith.subf %broadcast_in_dim3A_283, %mul3A_290 : vector<1x128xf32>
    %slice3A_292 = vector.extract_strided_slice %concatenate3A {offsets = [1280, 0], sizes = [128, 64], strides = [1, 1]} : vector<2048x64xf32> to vector<128x64xf32>
    %dot_general3A_293 = arith.constant dense<0.000000e+00> : vector<2048x128xf32>
    %dot_general3A_294 = tpu.matmul %concatenate3A_27, %slice3A_292, %dot_general3A_293 {dimension_numbers = #tpu.dot_dimension_numbers<[1], [1], [0], [0], [0, 0, 1, 0], [], []>, transpose_lhs_hint = false} : vector<2048x64xf32>, vector<128x64xf32>, vector<2048x128xf32> -> vector<2048x128xf32>
    %get3A_295 = arith.constant 0 : index
    %get3A_296 = arith.constant 1280 : index
    %get3A_297 = vector.load %arg8[%get3A_295, %get3A_296] : memref<2048x2048xi8, #tpu.memory_space<vmem>>, vector<2048x128xi8>
    %convert_element_type3A_298 = arith.sitofp %get3A_297 : vector<2048x128xi8> to vector<2048x128xf32>
    %gt3A_299 = arith.constant 0.000000e+00 : f32
    %gt3A_300 = vector.broadcast %gt3A_299 : f32 to vector<2048x128xf32>
    %gt3A_301 = arith.cmpf ogt, %convert_element_type3A_298, %gt3A_300 : vector<2048x128xf32>
    %jit3A_302 = arith.constant -1.000000e+30 : f32
    %broadcast_in_dim3A_303 = vector.broadcast %jit3A_302 : f32 to vector<2048x128xf32>
    %select_n3A_304 = arith.select %gt3A_301, %dot_general3A_294, %broadcast_in_dim3A_303 : vector<2048x128xi1>, vector<2048x128xf32>
    %reduce_max3A_305 = arith.constant dense<0xFF800000> : vector<128xf32>
    %reduce_max3A_306 = vector.multi_reduction <maximumf>, %select_n3A_304, %reduce_max3A_305 [0] : vector<2048x128xf32> to vector<128xf32>
    %broadcast_in_dim3A_307 = vector.shape_cast %reduce_max3A_306 : vector<128xf32> to vector<1x128xf32>
    %mul3A_308 = arith.mulf %dot_general3A_294, %convert_element_type3A_298 : vector<2048x128xf32>
    %reduce_sum3A_309 = arith.constant dense<0.000000e+00> : vector<128xf32>
    %reduce_sum3A_310 = vector.multi_reduction <add>, %mul3A_308, %reduce_sum3A_309 [0] : vector<2048x128xf32> to vector<128xf32>
    %broadcast_in_dim3A_311 = vector.shape_cast %reduce_sum3A_310 : vector<128xf32> to vector<1x128xf32>
    %mul3A_312 = arith.constant 4.8828125E-4 : f32
    %mul3A_313 = vector.broadcast %mul3A_312 : f32 to vector<1x128xf32>
    %mul3A_314 = arith.mulf %broadcast_in_dim3A_311, %mul3A_313 : vector<1x128xf32>
    %sub3A_315 = arith.subf %broadcast_in_dim3A_307, %mul3A_314 : vector<1x128xf32>
    %slice3A_316 = vector.extract_strided_slice %concatenate3A {offsets = [1408, 0], sizes = [128, 64], strides = [1, 1]} : vector<2048x64xf32> to vector<128x64xf32>
    %dot_general3A_317 = arith.constant dense<0.000000e+00> : vector<2048x128xf32>
    %dot_general3A_318 = tpu.matmul %concatenate3A_27, %slice3A_316, %dot_general3A_317 {dimension_numbers = #tpu.dot_dimension_numbers<[1], [1], [0], [0], [0, 0, 1, 0], [], []>, transpose_lhs_hint = false} : vector<2048x64xf32>, vector<128x64xf32>, vector<2048x128xf32> -> vector<2048x128xf32>
    %get3A_319 = arith.constant 0 : index
    %get3A_320 = arith.constant 1408 : index
    %get3A_321 = vector.load %arg8[%get3A_319, %get3A_320] : memref<2048x2048xi8, #tpu.memory_space<vmem>>, vector<2048x128xi8>
    %convert_element_type3A_322 = arith.sitofp %get3A_321 : vector<2048x128xi8> to vector<2048x128xf32>
    %gt3A_323 = arith.constant 0.000000e+00 : f32
    %gt3A_324 = vector.broadcast %gt3A_323 : f32 to vector<2048x128xf32>
    %gt3A_325 = arith.cmpf ogt, %convert_element_type3A_322, %gt3A_324 : vector<2048x128xf32>
    %jit3A_326 = arith.constant -1.000000e+30 : f32
    %broadcast_in_dim3A_327 = vector.broadcast %jit3A_326 : f32 to vector<2048x128xf32>
    %select_n3A_328 = arith.select %gt3A_325, %dot_general3A_318, %broadcast_in_dim3A_327 : vector<2048x128xi1>, vector<2048x128xf32>
    %reduce_max3A_329 = arith.constant dense<0xFF800000> : vector<128xf32>
    %reduce_max3A_330 = vector.multi_reduction <maximumf>, %select_n3A_328, %reduce_max3A_329 [0] : vector<2048x128xf32> to vector<128xf32>
    %broadcast_in_dim3A_331 = vector.shape_cast %reduce_max3A_330 : vector<128xf32> to vector<1x128xf32>
    %mul3A_332 = arith.mulf %dot_general3A_318, %convert_element_type3A_322 : vector<2048x128xf32>
    %reduce_sum3A_333 = arith.constant dense<0.000000e+00> : vector<128xf32>
    %reduce_sum3A_334 = vector.multi_reduction <add>, %mul3A_332, %reduce_sum3A_333 [0] : vector<2048x128xf32> to vector<128xf32>
    %broadcast_in_dim3A_335 = vector.shape_cast %reduce_sum3A_334 : vector<128xf32> to vector<1x128xf32>
    %mul3A_336 = arith.constant 4.8828125E-4 : f32
    %mul3A_337 = vector.broadcast %mul3A_336 : f32 to vector<1x128xf32>
    %mul3A_338 = arith.mulf %broadcast_in_dim3A_335, %mul3A_337 : vector<1x128xf32>
    %sub3A_339 = arith.subf %broadcast_in_dim3A_331, %mul3A_338 : vector<1x128xf32>
    %slice3A_340 = vector.extract_strided_slice %concatenate3A {offsets = [1536, 0], sizes = [128, 64], strides = [1, 1]} : vector<2048x64xf32> to vector<128x64xf32>
    %dot_general3A_341 = arith.constant dense<0.000000e+00> : vector<2048x128xf32>
    %dot_general3A_342 = tpu.matmul %concatenate3A_27, %slice3A_340, %dot_general3A_341 {dimension_numbers = #tpu.dot_dimension_numbers<[1], [1], [0], [0], [0, 0, 1, 0], [], []>, transpose_lhs_hint = false} : vector<2048x64xf32>, vector<128x64xf32>, vector<2048x128xf32> -> vector<2048x128xf32>
    %get3A_343 = arith.constant 0 : index
    %get3A_344 = arith.constant 1536 : index
    %get3A_345 = vector.load %arg8[%get3A_343, %get3A_344] : memref<2048x2048xi8, #tpu.memory_space<vmem>>, vector<2048x128xi8>
    %convert_element_type3A_346 = arith.sitofp %get3A_345 : vector<2048x128xi8> to vector<2048x128xf32>
    %gt3A_347 = arith.constant 0.000000e+00 : f32
    %gt3A_348 = vector.broadcast %gt3A_347 : f32 to vector<2048x128xf32>
    %gt3A_349 = arith.cmpf ogt, %convert_element_type3A_346, %gt3A_348 : vector<2048x128xf32>
    %jit3A_350 = arith.constant -1.000000e+30 : f32
    %broadcast_in_dim3A_351 = vector.broadcast %jit3A_350 : f32 to vector<2048x128xf32>
    %select_n3A_352 = arith.select %gt3A_349, %dot_general3A_342, %broadcast_in_dim3A_351 : vector<2048x128xi1>, vector<2048x128xf32>
    %reduce_max3A_353 = arith.constant dense<0xFF800000> : vector<128xf32>
    %reduce_max3A_354 = vector.multi_reduction <maximumf>, %select_n3A_352, %reduce_max3A_353 [0] : vector<2048x128xf32> to vector<128xf32>
    %broadcast_in_dim3A_355 = vector.shape_cast %reduce_max3A_354 : vector<128xf32> to vector<1x128xf32>
    %mul3A_356 = arith.mulf %dot_general3A_342, %convert_element_type3A_346 : vector<2048x128xf32>
    %reduce_sum3A_357 = arith.constant dense<0.000000e+00> : vector<128xf32>
    %reduce_sum3A_358 = vector.multi_reduction <add>, %mul3A_356, %reduce_sum3A_357 [0] : vector<2048x128xf32> to vector<128xf32>
    %broadcast_in_dim3A_359 = vector.shape_cast %reduce_sum3A_358 : vector<128xf32> to vector<1x128xf32>
    %mul3A_360 = arith.constant 4.8828125E-4 : f32
    %mul3A_361 = vector.broadcast %mul3A_360 : f32 to vector<1x128xf32>
    %mul3A_362 = arith.mulf %broadcast_in_dim3A_359, %mul3A_361 : vector<1x128xf32>
    %sub3A_363 = arith.subf %broadcast_in_dim3A_355, %mul3A_362 : vector<1x128xf32>
    %slice3A_364 = vector.extract_strided_slice %concatenate3A {offsets = [1664, 0], sizes = [128, 64], strides = [1, 1]} : vector<2048x64xf32> to vector<128x64xf32>
    %dot_general3A_365 = arith.constant dense<0.000000e+00> : vector<2048x128xf32>
    %dot_general3A_366 = tpu.matmul %concatenate3A_27, %slice3A_364, %dot_general3A_365 {dimension_numbers = #tpu.dot_dimension_numbers<[1], [1], [0], [0], [0, 0, 1, 0], [], []>, transpose_lhs_hint = false} : vector<2048x64xf32>, vector<128x64xf32>, vector<2048x128xf32> -> vector<2048x128xf32>
    %get3A_367 = arith.constant 0 : index
    %get3A_368 = arith.constant 1664 : index
    %get3A_369 = vector.load %arg8[%get3A_367, %get3A_368] : memref<2048x2048xi8, #tpu.memory_space<vmem>>, vector<2048x128xi8>
    %convert_element_type3A_370 = arith.sitofp %get3A_369 : vector<2048x128xi8> to vector<2048x128xf32>
    %gt3A_371 = arith.constant 0.000000e+00 : f32
    %gt3A_372 = vector.broadcast %gt3A_371 : f32 to vector<2048x128xf32>
    %gt3A_373 = arith.cmpf ogt, %convert_element_type3A_370, %gt3A_372 : vector<2048x128xf32>
    %jit3A_374 = arith.constant -1.000000e+30 : f32
    %broadcast_in_dim3A_375 = vector.broadcast %jit3A_374 : f32 to vector<2048x128xf32>
    %select_n3A_376 = arith.select %gt3A_373, %dot_general3A_366, %broadcast_in_dim3A_375 : vector<2048x128xi1>, vector<2048x128xf32>
    %reduce_max3A_377 = arith.constant dense<0xFF800000> : vector<128xf32>
    %reduce_max3A_378 = vector.multi_reduction <maximumf>, %select_n3A_376, %reduce_max3A_377 [0] : vector<2048x128xf32> to vector<128xf32>
    %broadcast_in_dim3A_379 = vector.shape_cast %reduce_max3A_378 : vector<128xf32> to vector<1x128xf32>
    %mul3A_380 = arith.mulf %dot_general3A_366, %convert_element_type3A_370 : vector<2048x128xf32>
    %reduce_sum3A_381 = arith.constant dense<0.000000e+00> : vector<128xf32>
    %reduce_sum3A_382 = vector.multi_reduction <add>, %mul3A_380, %reduce_sum3A_381 [0] : vector<2048x128xf32> to vector<128xf32>
    %broadcast_in_dim3A_383 = vector.shape_cast %reduce_sum3A_382 : vector<128xf32> to vector<1x128xf32>
    %mul3A_384 = arith.constant 4.8828125E-4 : f32
    %mul3A_385 = vector.broadcast %mul3A_384 : f32 to vector<1x128xf32>
    %mul3A_386 = arith.mulf %broadcast_in_dim3A_383, %mul3A_385 : vector<1x128xf32>
    %sub3A_387 = arith.subf %broadcast_in_dim3A_379, %mul3A_386 : vector<1x128xf32>
    %slice3A_388 = vector.extract_strided_slice %concatenate3A {offsets = [1792, 0], sizes = [128, 64], strides = [1, 1]} : vector<2048x64xf32> to vector<128x64xf32>
    %dot_general3A_389 = arith.constant dense<0.000000e+00> : vector<2048x128xf32>
    %dot_general3A_390 = tpu.matmul %concatenate3A_27, %slice3A_388, %dot_general3A_389 {dimension_numbers = #tpu.dot_dimension_numbers<[1], [1], [0], [0], [0, 0, 1, 0], [], []>, transpose_lhs_hint = false} : vector<2048x64xf32>, vector<128x64xf32>, vector<2048x128xf32> -> vector<2048x128xf32>
    %get3A_391 = arith.constant 0 : index
    %get3A_392 = arith.constant 1792 : index
    %get3A_393 = vector.load %arg8[%get3A_391, %get3A_392] : memref<2048x2048xi8, #tpu.memory_space<vmem>>, vector<2048x128xi8>
    %convert_element_type3A_394 = arith.sitofp %get3A_393 : vector<2048x128xi8> to vector<2048x128xf32>
    %gt3A_395 = arith.constant 0.000000e+00 : f32
    %gt3A_396 = vector.broadcast %gt3A_395 : f32 to vector<2048x128xf32>
    %gt3A_397 = arith.cmpf ogt, %convert_element_type3A_394, %gt3A_396 : vector<2048x128xf32>
    %jit3A_398 = arith.constant -1.000000e+30 : f32
    %broadcast_in_dim3A_399 = vector.broadcast %jit3A_398 : f32 to vector<2048x128xf32>
    %select_n3A_400 = arith.select %gt3A_397, %dot_general3A_390, %broadcast_in_dim3A_399 : vector<2048x128xi1>, vector<2048x128xf32>
    %reduce_max3A_401 = arith.constant dense<0xFF800000> : vector<128xf32>
    %reduce_max3A_402 = vector.multi_reduction <maximumf>, %select_n3A_400, %reduce_max3A_401 [0] : vector<2048x128xf32> to vector<128xf32>
    %broadcast_in_dim3A_403 = vector.shape_cast %reduce_max3A_402 : vector<128xf32> to vector<1x128xf32>
    %mul3A_404 = arith.mulf %dot_general3A_390, %convert_element_type3A_394 : vector<2048x128xf32>
    %reduce_sum3A_405 = arith.constant dense<0.000000e+00> : vector<128xf32>
    %reduce_sum3A_406 = vector.multi_reduction <add>, %mul3A_404, %reduce_sum3A_405 [0] : vector<2048x128xf32> to vector<128xf32>
    %broadcast_in_dim3A_407 = vector.shape_cast %reduce_sum3A_406 : vector<128xf32> to vector<1x128xf32>
    %mul3A_408 = arith.constant 4.8828125E-4 : f32
    %mul3A_409 = vector.broadcast %mul3A_408 : f32 to vector<1x128xf32>
    %mul3A_410 = arith.mulf %broadcast_in_dim3A_407, %mul3A_409 : vector<1x128xf32>
    %sub3A_411 = arith.subf %broadcast_in_dim3A_403, %mul3A_410 : vector<1x128xf32>
    %slice3A_412 = vector.extract_strided_slice %concatenate3A {offsets = [1920, 0], sizes = [128, 64], strides = [1, 1]} : vector<2048x64xf32> to vector<128x64xf32>
    %dot_general3A_413 = arith.constant dense<0.000000e+00> : vector<2048x128xf32>
    %dot_general3A_414 = tpu.matmul %concatenate3A_27, %slice3A_412, %dot_general3A_413 {dimension_numbers = #tpu.dot_dimension_numbers<[1], [1], [0], [0], [0, 0, 1, 0], [], []>, transpose_lhs_hint = false} : vector<2048x64xf32>, vector<128x64xf32>, vector<2048x128xf32> -> vector<2048x128xf32>
    %get3A_415 = arith.constant 0 : index
    %get3A_416 = arith.constant 1920 : index
    %get3A_417 = vector.load %arg8[%get3A_415, %get3A_416] : memref<2048x2048xi8, #tpu.memory_space<vmem>>, vector<2048x128xi8>
    %convert_element_type3A_418 = arith.sitofp %get3A_417 : vector<2048x128xi8> to vector<2048x128xf32>
    %gt3A_419 = arith.constant 0.000000e+00 : f32
    %gt3A_420 = vector.broadcast %gt3A_419 : f32 to vector<2048x128xf32>
    %gt3A_421 = arith.cmpf ogt, %convert_element_type3A_418, %gt3A_420 : vector<2048x128xf32>
    %jit3A_422 = arith.constant -1.000000e+30 : f32
    %broadcast_in_dim3A_423 = vector.broadcast %jit3A_422 : f32 to vector<2048x128xf32>
    %select_n3A_424 = arith.select %gt3A_421, %dot_general3A_414, %broadcast_in_dim3A_423 : vector<2048x128xi1>, vector<2048x128xf32>
    %reduce_max3A_425 = arith.constant dense<0xFF800000> : vector<128xf32>
    %reduce_max3A_426 = vector.multi_reduction <maximumf>, %select_n3A_424, %reduce_max3A_425 [0] : vector<2048x128xf32> to vector<128xf32>
    %broadcast_in_dim3A_427 = vector.shape_cast %reduce_max3A_426 : vector<128xf32> to vector<1x128xf32>
    %mul3A_428 = arith.mulf %dot_general3A_414, %convert_element_type3A_418 : vector<2048x128xf32>
    %reduce_sum3A_429 = arith.constant dense<0.000000e+00> : vector<128xf32>
    %reduce_sum3A_430 = vector.multi_reduction <add>, %mul3A_428, %reduce_sum3A_429 [0] : vector<2048x128xf32> to vector<128xf32>
    %broadcast_in_dim3A_431 = vector.shape_cast %reduce_sum3A_430 : vector<128xf32> to vector<1x128xf32>
    %mul3A_432 = arith.constant 4.8828125E-4 : f32
    %mul3A_433 = vector.broadcast %mul3A_432 : f32 to vector<1x128xf32>
    %mul3A_434 = arith.mulf %broadcast_in_dim3A_431, %mul3A_433 : vector<1x128xf32>
    %sub3A_435 = arith.subf %broadcast_in_dim3A_427, %mul3A_434 : vector<1x128xf32>
    %concatenate3A_436 = tpu.concatenate %sub3A, %sub3A_99, %sub3A_123, %sub3A_147, %sub3A_171, %sub3A_195, %sub3A_219, %sub3A_243, %sub3A_267, %sub3A_291, %sub3A_315, %sub3A_339, %sub3A_363, %sub3A_387, %sub3A_411, %sub3A_435 in 0 : vector<1x128xf32>, vector<1x128xf32>, vector<1x128xf32>, vector<1x128xf32>, vector<1x128xf32>, vector<1x128xf32>, vector<1x128xf32>, vector<1x128xf32>, vector<1x128xf32>, vector<1x128xf32>, vector<1x128xf32>, vector<1x128xf32>, vector<1x128xf32>, vector<1x128xf32>, vector<1x128xf32>, vector<1x128xf32> -> vector<16x128xf32>
    %reshape3A_437 = vector.shape_cast %concatenate3A_436 : vector<16x128xf32> to vector<1x16x128xf32>
    %swap3A_438 = arith.constant 0 : index
    %swap3A_439 = arith.constant 0 : index
    %swap3A_440 = arith.constant 0 : index
    %swap3A_441 = vector.load %arg12[%swap3A_438, %swap3A_439, %swap3A_440] : memref<1x16x128xf32, #tpu.memory_space<vmem>>, vector<1x16x128xf32>
    tpu.vector_store %arg12[%swap3A_438, %swap3A_439, %swap3A_440], %reshape3A_437 {strides = array<i32>} : memref<1x16x128xf32, #tpu.memory_space<vmem>>, vector<1x16x128xf32>,
    return
  }
  func.func @transform_0(%arg0: i32) -> (i32, i32) {
    %c0_i32 = arith.constant 0 : i32
    %c0_i32_0 = arith.constant 0 : i32
    return %arg0, %c0_i32 : i32, i32
  }
  func.func @transform_1(%arg0: i32) -> (i32, i32) {
    %c0_i32 = arith.constant 0 : i32
    %c0_i32_0 = arith.constant 0 : i32
    %c0_i32_1 = arith.constant 0 : i32
    return %c0_i32, %c0_i32_0 : i32, i32
  }
  func.func @transform_2(%arg0: i32) -> (i32, i32) {
    %c0_i32 = arith.constant 0 : i32
    %c0_i32_0 = arith.constant 0 : i32
    %c0_i32_1 = arith.constant 0 : i32
    return %c0_i32, %c0_i32_0 : i32, i32
  }
  func.func @transform_3(%arg0: i32) -> (i32, i32) {
    %c0_i32 = arith.constant 0 : i32
    %c0_i32_0 = arith.constant 0 : i32
    %c0_i32_1 = arith.constant 0 : i32
    return %c0_i32, %c0_i32_0 : i32, i32
  }
  func.func @transform_4(%arg0: i32) -> (i32, i32) {
    %c0_i32 = arith.constant 0 : i32
    %c0_i32_0 = arith.constant 0 : i32
    %c0_i32_1 = arith.constant 0 : i32
    return %c0_i32, %c0_i32_0 : i32, i32
  }
  func.func @transform_5(%arg0: i32) -> (i32, i32) {
    %c0_i32 = arith.constant 0 : i32
    %c0_i32_0 = arith.constant 0 : i32
    %c0_i32_1 = arith.constant 0 : i32
    return %c0_i32, %c0_i32_0 : i32, i32
  }
  func.func @transform_6(%arg0: i32) -> (i32, i32) {
    %c0_i32 = arith.constant 0 : i32
    %c0_i32_0 = arith.constant 0 : i32
    %c0_i32_1 = arith.constant 0 : i32
    return %c0_i32, %c0_i32_0 : i32, i32
  }
  func.func @transform_7(%arg0: i32) -> (i32, i32) {
    %c0_i32 = arith.constant 0 : i32
    %c0_i32_0 = arith.constant 0 : i32
    %c0_i32_1 = arith.constant 0 : i32
    return %c0_i32, %c0_i32_0 : i32, i32
  }
  func.func @transform_8(%arg0: i32) -> (i32, i32) {
    %c0_i32 = arith.constant 0 : i32
    %c0_i32_0 = arith.constant 0 : i32
    return %arg0, %c0_i32 : i32, i32
  }
  func.func @transform_9(%arg0: i32) -> (i32, i32) {
    %c0_i32 = arith.constant 0 : i32
    %c0_i32_0 = arith.constant 0 : i32
    return %arg0, %c0_i32 : i32, i32
  }
  func.func @transform_10(%arg0: i32) -> (i32, i32) {
    %c0_i32 = arith.constant 0 : i32
    %c0_i32_0 = arith.constant 0 : i32
    return %arg0, %c0_i32 : i32, i32
  }
  func.func @transform_11(%arg0: i32) -> (i32, i32, i32) {
    %c0_i32 = arith.constant 0 : i32
    %c0_i32_0 = arith.constant 0 : i32
    %c0_i32_1 = arith.constant 0 : i32
    return %arg0, %c0_i32, %c0_i32_0 : i32, i32, i32
  }
  func.func @transform_12(%arg0: i32) -> (i32, i32, i32) {
    %c0_i32 = arith.constant 0 : i32
    %c0_i32_0 = arith.constant 0 : i32
    %c0_i32_1 = arith.constant 0 : i32
    return %arg0, %c0_i32, %c0_i32_0 : i32, i32, i32
  }
}

module attributes {stable_mosaic.version = 14 : i64} {
  func.func @_k3_body(%arg0: i32, %arg1: memref<2048x64xbf16, #tpu.memory_space<vmem>>, %arg2: memref<2048x64xbf16, #tpu.memory_space<vmem>>, %arg3: memref<2048x64xbf16, #tpu.memory_space<vmem>>, %arg4: memref<1x1x64xf32, #tpu.memory_space<vmem>>, %arg5: memref<1x1x32xi32, #tpu.memory_space<vmem>>, %arg6: memref<256x256xf32, #tpu.memory_space<vmem>>, %arg7: memref<1x256xf32, #tpu.memory_space<vmem>>, %arg8: memref<512x256xf32, #tpu.memory_space<vmem>>) attributes {dimension_semantics = [#tpu.dimension_semantics<arbitrary>], iteration_bounds = array<i64: 16>, scalar_prefetch = 0 : i64, scratch_operands = 0 : i64, tpu.core_type = #tpu.core_type<tc>, window_params = [{transform_indices = @transform_0, window_bounds = array<i64: 2048, 64>}, {transform_indices = @transform_1, window_bounds = array<i64: 2048, 64>}, {transform_indices = @transform_2, window_bounds = array<i64: 2048, 64>}, {transform_indices = @transform_3, window_bounds = array<i64: 1, 1, 64>}, {transform_indices = @transform_4, window_bounds = array<i64: 1, 1, 32>}, {pipeline_mode = #tpu.pipeline_mode<synchronous>, transform_indices = @transform_5, window_bounds = array<i64: 256, 256>}, {pipeline_mode = #tpu.pipeline_mode<synchronous>, transform_indices = @transform_6, window_bounds = array<i64: 1, 256>}, {transform_indices = @transform_7, window_bounds = array<i64: 512, 256>}]} {
    %get3A = arith.constant 0 : index
    %get3A_0 = arith.constant 0 : index
    %get3A_1 = vector.load %arg2[%get3A, %get3A_0] : memref<2048x64xbf16, #tpu.memory_space<vmem>>, vector<2048x64xbf16>
    %get3A_2 = arith.constant 0 : index
    %get3A_3 = arith.constant 0 : index
    %get3A_4 = vector.load %arg3[%get3A_2, %get3A_3] : memref<2048x64xbf16, #tpu.memory_space<vmem>>, vector<2048x64xbf16>
    %get3A_5 = arith.constant 0 : index
    %get3A_6 = arith.constant 0 : index
    %get3A_7 = arith.constant 0 : index
    %get3A_8 = vector.load %arg5[%get3A_5, %get3A_6, %get3A_7] : memref<1x1x32xi32, #tpu.memory_space<vmem>>, vector<1x1x32xi32>
    %reshape3A = vector.shape_cast %get3A_8 : vector<1x1x32xi32> to vector<1x32xi32>
    %iota3A = tpu.iota {dimensions = array<i32: 0>} : vector<2048x32xi32>
    %eq3A = vector.broadcast %reshape3A : vector<1x32xi32> to vector<2048x32xi32>
    %eq3A_9 = arith.cmpi eq, %iota3A, %eq3A : vector<2048x32xi32>
    %convert_element_type3A = arith.extui %eq3A_9 : vector<2048x32xi1> to vector<2048x32xi32>
    %convert_element_type3A_10 = arith.sitofp %convert_element_type3A : vector<2048x32xi32> to vector<2048x32xf32>
    %convert_element_type3A_11 = arith.truncf %convert_element_type3A_10 : vector<2048x32xf32> to vector<2048x32xbf16>
    %get3A_12 = arith.constant 0 : index
    %get3A_13 = arith.constant 0 : index
    %get3A_14 = vector.load %arg1[%get3A_12, %get3A_13] : memref<2048x64xbf16, #tpu.memory_space<vmem>>, vector<2048x64xbf16>
    %dot_general3A = arith.constant dense<0.000000e+00> : vector<32x64xf32>
    %dot_general3A_15 = tpu.matmul %convert_element_type3A_11, %get3A_14, %dot_general3A {dimension_numbers = #tpu.dot_dimension_numbers<[0], [0], [1], [1], [0, 1, 1, 1], [], []>, transpose_lhs_hint = false} : vector<2048x32xbf16>, vector<2048x64xbf16>, vector<32x64xf32> -> vector<32x64xf32>
    %convert_element_type3A_16 = arith.truncf %dot_general3A_15 : vector<32x64xf32> to vector<32x64xbf16>
    %dot_general3A_17 = arith.constant dense<0.000000e+00> : vector<32x2048xf32>
    %dot_general3A_18 = tpu.matmul %convert_element_type3A_16, %get3A_1, %dot_general3A_17 {dimension_numbers = #tpu.dot_dimension_numbers<[1], [1], [0], [0], [0, 0, 1, 0], [], []>, transpose_lhs_hint = false} : vector<32x64xbf16>, vector<2048x64xbf16>, vector<32x2048xf32> -> vector<32x2048xf32>
    %mul3A = arith.constant 1.250000e-01 : f32
    %mul3A_19 = vector.broadcast %mul3A : f32 to vector<32x2048xf32>
    %mul3A_20 = arith.mulf %dot_general3A_18, %mul3A_19 : vector<32x2048xf32>
    %reduce_max3A = arith.constant dense<0xFF800000> : vector<32xf32>
    %reduce_max3A_21 = vector.multi_reduction <maximumf>, %mul3A_20, %reduce_max3A [1] : vector<32x2048xf32> to vector<32xf32>
    %broadcast_in_dim3A = vector.shape_cast %reduce_max3A_21 : vector<32xf32> to vector<32x1xf32>
    %sub3A = vector.broadcast %broadcast_in_dim3A : vector<32x1xf32> to vector<32x2048xf32>
    %sub3A_22 = arith.subf %mul3A_20, %sub3A : vector<32x2048xf32>
    %exp3A = math.exp %sub3A_22 : vector<32x2048xf32>
    %reduce_sum3A = arith.constant dense<0.000000e+00> : vector<32xf32>
    %reduce_sum3A_23 = vector.multi_reduction <add>, %exp3A, %reduce_sum3A [1] : vector<32x2048xf32> to vector<32xf32>
    %broadcast_in_dim3A_24 = vector.shape_cast %reduce_sum3A_23 : vector<32xf32> to vector<32x1xf32>
    %div3A = vector.broadcast %broadcast_in_dim3A_24 : vector<32x1xf32> to vector<32x2048xf32>
    %div3A_25 = arith.divf %exp3A, %div3A : vector<32x2048xf32>
    %convert_element_type3A_26 = arith.truncf %div3A_25 : vector<32x2048xf32> to vector<32x2048xbf16>
    %dot_general3A_27 = arith.constant dense<0.000000e+00> : vector<32x64xf32>
    %dot_general3A_28 = tpu.matmul %convert_element_type3A_26, %get3A_4, %dot_general3A_27 {dimension_numbers = #tpu.dot_dimension_numbers<[1], [0], [0], [1], [0, 0, 1, 1], [], []>, transpose_lhs_hint = false} : vector<32x2048xbf16>, vector<2048x64xbf16>, vector<32x64xf32> -> vector<32x64xf32>
    %get3A_29 = arith.constant 0 : index
    %get3A_30 = arith.constant 0 : index
    %get3A_31 = arith.constant 0 : index
    %get3A_32 = vector.load %arg4[%get3A_29, %get3A_30, %get3A_31] : memref<1x1x64xf32, #tpu.memory_space<vmem>>, vector<1x1x64xf32>
    %reshape3A_33 = vector.shape_cast %get3A_32 : vector<1x1x64xf32> to vector<1x64xf32>
    %convert_element_type3A_34 = arith.extf %convert_element_type3A_11 : vector<2048x32xbf16> to vector<2048x32xf32>
    %sub3A_35 = vector.broadcast %reshape3A_33 : vector<1x64xf32> to vector<32x64xf32>
    %sub3A_36 = arith.subf %dot_general3A_28, %sub3A_35 : vector<32x64xf32>
    %dot_general3A_37 = arith.constant dense<0.000000e+00> : vector<2048x64xf32>
    %dot_general3A_38 = tpu.matmul %convert_element_type3A_34, %sub3A_36, %dot_general3A_37 {dimension_numbers = #tpu.dot_dimension_numbers<[1], [0], [0], [1], [0, 0, 1, 1], [], []>, precision = #tpu.contract_precision<fp32>, transpose_lhs_hint = false} : vector<2048x32xf32>, vector<32x64xf32>, vector<2048x64xf32> -> vector<2048x64xf32>
    %add3A = vector.broadcast %reshape3A_33 : vector<1x64xf32> to vector<2048x64xf32>
    %add3A_39 = arith.addf %dot_general3A_38, %add3A : vector<2048x64xf32>
    %slice3A = vector.extract_strided_slice %add3A_39 {offsets = [0, 0], sizes = [512, 64], strides = [1, 1]} : vector<2048x64xf32> to vector<512x64xf32>
    %slice3A_40 = vector.extract_strided_slice %add3A_39 {offsets = [512, 0], sizes = [512, 64], strides = [1, 1]} : vector<2048x64xf32> to vector<512x64xf32>
    %slice3A_41 = vector.extract_strided_slice %add3A_39 {offsets = [1024, 0], sizes = [512, 64], strides = [1, 1]} : vector<2048x64xf32> to vector<512x64xf32>
    %slice3A_42 = vector.extract_strided_slice %add3A_39 {offsets = [1536, 0], sizes = [512, 64], strides = [1, 1]} : vector<2048x64xf32> to vector<512x64xf32>
    %concatenate3A = tpu.concatenate %slice3A, %slice3A_40, %slice3A_41, %slice3A_42 in 1 : vector<512x64xf32>, vector<512x64xf32>, vector<512x64xf32>, vector<512x64xf32> -> vector<512x256xf32>
    %get3A_43 = arith.constant 0 : index
    %get3A_44 = arith.constant 0 : index
    %get3A_45 = vector.load %arg6[%get3A_43, %get3A_44] : memref<256x256xf32, #tpu.memory_space<vmem>>, vector<256x256xf32>
    %dot_general3A_46 = arith.constant dense<0.000000e+00> : vector<512x256xf32>
    %dot_general3A_47 = tpu.matmul %concatenate3A, %get3A_45, %dot_general3A_46 {dimension_numbers = #tpu.dot_dimension_numbers<[1], [1], [0], [0], [0, 0, 1, 0], [], []>, transpose_lhs_hint = false} : vector<512x256xf32>, vector<256x256xf32>, vector<512x256xf32> -> vector<512x256xf32>
    %get3A_48 = arith.constant 0 : index
    %get3A_49 = arith.constant 0 : index
    %get3A_50 = vector.load %arg7[%get3A_48, %get3A_49] : memref<1x256xf32, #tpu.memory_space<vmem>>, vector<1x256xf32>
    %add3A_51 = vector.broadcast %get3A_50 : vector<1x256xf32> to vector<512x256xf32>
    %add3A_52 = arith.addf %dot_general3A_47, %add3A_51 : vector<512x256xf32>
    %swap3A = arith.constant 0 : index
    %swap3A_53 = arith.constant 0 : index
    %swap3A_54 = vector.load %arg8[%swap3A, %swap3A_53] : memref<512x256xf32, #tpu.memory_space<vmem>>, vector<512x256xf32>
    tpu.vector_store %arg8[%swap3A, %swap3A_53], %add3A_52 {strides = array<i32>} : memref<512x256xf32, #tpu.memory_space<vmem>>, vector<512x256xf32>,
    return
  }
  func.func @transform_0(%arg0: i32) -> (i32, i32) {
    %c0_i32 = arith.constant 0 : i32
    %c0_i32_0 = arith.constant 0 : i32
    return %arg0, %c0_i32 : i32, i32
  }
  func.func @transform_1(%arg0: i32) -> (i32, i32) {
    %c0_i32 = arith.constant 0 : i32
    %c0_i32_0 = arith.constant 0 : i32
    return %arg0, %c0_i32 : i32, i32
  }
  func.func @transform_2(%arg0: i32) -> (i32, i32) {
    %c0_i32 = arith.constant 0 : i32
    %c0_i32_0 = arith.constant 0 : i32
    return %arg0, %c0_i32 : i32, i32
  }
  func.func @transform_3(%arg0: i32) -> (i32, i32, i32) {
    %c0_i32 = arith.constant 0 : i32
    %c0_i32_0 = arith.constant 0 : i32
    %c0_i32_1 = arith.constant 0 : i32
    return %arg0, %c0_i32, %c0_i32_0 : i32, i32, i32
  }
  func.func @transform_4(%arg0: i32) -> (i32, i32, i32) {
    %c0_i32 = arith.constant 0 : i32
    %c0_i32_0 = arith.constant 0 : i32
    %c0_i32_1 = arith.constant 0 : i32
    return %arg0, %c0_i32, %c0_i32_0 : i32, i32, i32
  }
  func.func @transform_5(%arg0: i32) -> (i32, i32) {
    %c0_i32 = arith.constant 0 : i32
    %c0_i32_0 = arith.constant 0 : i32
    %c0_i32_1 = arith.constant 0 : i32
    return %c0_i32, %c0_i32_0 : i32, i32
  }
  func.func @transform_6(%arg0: i32) -> (i32, i32) {
    %c0_i32 = arith.constant 0 : i32
    %c0_i32_0 = arith.constant 0 : i32
    %c0_i32_1 = arith.constant 0 : i32
    return %c0_i32, %c0_i32_0 : i32, i32
  }
  func.func @transform_7(%arg0: i32) -> (i32, i32) {
    %c0_i32 = arith.constant 0 : i32
    %c0_i32_0 = arith.constant 0 : i32
    return %arg0, %c0_i32 : i32, i32
  }
}

</mosaic_0001>

<sc_bundles>
// kernel: kernel.5.cloned.1.call-start
scs
__scs_entry_jumppad:
0x0: {  	(pc) =	sbr.rel $0x88, $3  }
0x1: {  	(tag) =	ssettag $0x0;
	lr =	simm.s32 $0x1  }
0x2: {  	[smem:$0x3F95] =	sst lr;
	_ =	strace $0xD0000000  }
0x3: {  	_ = 	snop  }
0x4: {  	_ = 	snop  }
0x5: {  	_ = 	snop  }
0x6: {  	_ = 	snop  }
0x7: {  	_ = 	snop  }
__scs_overlays_trampoline_lowered:
0x8: {  	[smem:$0x3FA4] =	sst s0  }
0x9: {  	[smem:$0x3FA5] =	sst s1  }
0xa: {  	[smem:$0x3FA6] =	sst s2  }
0xb: {  	[smem:$0x3FA7] =	sst s3  }
0xc: {  	[smem:$0x3FA8] =	sst s4  }
0xd: {  	[smem:$0x3FA9] =	sst s5  }
0xe: {  	[smem:$0x3FAA] =	sst s6  }
0xf: {  	[smem:$0x3FAB] =	sst s7  }
0x10: {  	[smem:$0x3FAC] =	sst s8  }
0x11: {  	[smem:$0x3FAD] =	sst s9;
	s0 =	simm.s32 @!p0 $0x0  }
0x12: {  	s1 =	sld [smem:$0x3F93];
	s0 =	simm.s32 @p0 $0x1  }
0x13: {  	[smem:$0x3FAE] =	sst s0;
	s0 =	simm.s32 @!p1 $0x0  }
0x14: {  	s2 =	sld [smem:$0x3F92];
	s0 =	simm.s32 @p1 $0x1  }
0x15: {  	[smem:$0x3FAF] =	sst s0;
	s0 =	simm.s32 @!p2 $0x0  }
0x16: {  	s3 =	sld [smem:$0x3FDB];
	s0 =	simm.s32 @p2 $0x1  }
0x17: {  	s4 =	simm.s32 $0x1BF5;
	[smem:$0x3FB1] =	sst s0  }
0x18: {  	s0 =	sld [smem:$0x3F94];
	_ =	swait.ge [sflag:s4], $0x0  }
0x19: {  	s7 =	sld [smem:$0x3F95]  }
0x1a: {  	s8 =	sadd.s32 $0xFFFFE003, lr  }
0x1b: {  	s9 =	sadd.s32 $0xFFFFFEF7, lr;
	s5 =	simm.s32 $0xFFFFFFFF;
	p2 =	slt.u32 s8, $0xFFFFF086  }
0x1c: {  	p1 =	slt.u32 s9, $0xF7A;
	s5 =	simm.s32 @!p2 $0x0  }
0x1d: {  	s5 =	simm.s32 @p1 $0x1;
	p0 =	seq.s32 s7, s2  }
0x1e: {  	s7 =	smul.u32 @!p0 $0xF7A, s2;
	p2 =	seq.s32 @!p0 s5, $0x0  }
0x1f: {  	s9 =	smul.u32 $0xF7A, s1;
	s8 =	simm.s32 @!p0 $0x1BF5;
	p2 =	por !p2, p0  }
0x20: {  	[sflag:s8] =	ssyncset.s32 @!p0 $0xFFFFF086;
	s6 =	sadd.s32 @!p0 s3, s7;
	s7 =	simm.s32 @!p0 $0x108  }
0x21: {  	s3 =	sadd.s32 s3, s9;
	s6 =	sadd.s32 @!p0 $0x88, s6;
	s7 =	simm.s32 @p2 $0x1082  }
0x22: {  	[simem:s7], [sflag:s8] =	dma.local @!p0 [hbm:s6], $0xF7A  }
0x23: {  	s9 =	sor.u32 $0xD0000000, s2;
	s6 =	simm.s32 $0x108;
	_ =	swait.ge @!p0 [sflag:s8], $0x0  }
0x24: {  	s3 =	sadd.s32 $0x88, s3;
	s6 =	simm.s32 @!p1 $0x1082;
	[sflag:s4] =	ssyncset.s32 $0xFFFFF086  }
0x25: {  	[simem:s6], [sflag:s4] =	dma.local [hbm:s3], $0xF7A  }
0x26: {  	[smem:$0x3F95] =	sst s1;
	(tag) =	ssettag s2;
	_ =	strace s9  }
0x27: {  	s1 =	sld [smem:$0x3FA5]  }
0x28: {  	s2 =	sld [smem:$0x3FA6]  }
0x29: {  	s4 =	sld [smem:$0x3FA8]  }
0x2a: {  	p0 =	seq.s32 s5, $0x0;
	s5 =	sld [smem:$0x3FA9]  }
0x2b: {  	s6 =	sld [smem:$0x3FAA]  }
0x2c: {  	s7 =	sld [smem:$0x3FAB]  }
0x2d: {  	s3 =	simm.s32 $0x108;
	s8 =	sld [smem:$0x3FAC]  }
0x2e: {  	s3 =	simm.s32 @!p0 $0x1082;
	s9 =	sld [smem:$0x3FAD]  }
0x2f: {  	lr =	sadd.s32 s0, s3;
	s0 =	sld [smem:$0x3FA4]  }
0x30: {  	s3 =	sld [smem:$0x3FA7]  }
0x31: {  	[smem:$0x3FB0] =	sst s10  }
0x32: {  	s10 =	sld [smem:$0x3FAE];
	_ =	sdelay $0x3  }
0x33: {  	p0 =	seq.s32 s10, $0x1;
	s10 =	sld [smem:$0x3FB0];
	_ =	sdelay $0x3  }
0x34: {  	[smem:$0x3FB0] =	sst s10  }
0x35: {  	s10 =	sld [smem:$0x3FAF];
	_ =	sdelay $0x3  }
0x36: {  	p1 =	seq.s32 s10, $0x1;
	s10 =	sld [smem:$0x3FB0];
	_ =	sdelay $0x3  }
0x37: {  	[smem:$0x3FB0] =	sst s10  }
0x38: {  	s10 =	sld [smem:$0x3FB1]  }
0x39: {  	_ = 	snop;
	(pc) =	sbr.ind lr, $3  }
0x3a: {  	_ = 	snop  }
0x3b: {  	_ = 	snop  }
0x3c: {  	p2 =	seq.s32 s10, $0x1;
	s10 =	sld [smem:$0x3FB0]  }
0x3d: {  	_ =	shalt  }
0x3e: {  	_ =	shalt  }
0x3f: {  	_ =	shalt  }
0x40: {  	_ =	shalt  }
0x41: {  	_ =	shalt  }
0x42: {  	_ =	shalt  }
0x43: {  	_ =	shalt  }
0x44: {  	_ =	shalt  }
0x45: {  	_ =	shalt  }
0x46: {  	_ =	shalt  }
0x47: {  	_ =	shalt  }
0x48: {  	_ =	shalt  }
0x49: {  	_ =	shalt  }
0x4a: {  	_ =	shalt  }
0x4b: {  	_ =	shalt  }
0x4c: {  	_ =	shalt  }
0x4d: {  	_ =	shalt  }
0x4e: {  	_ =	shalt  }
0x4f: {  	_ =	shalt  }
0x50: {  	_ =	shalt  }
0x51: {  	_ =	shalt  }
0x52: {  	_ =	shalt  }
0x53: {  	_ =	shalt  }
0x54: {  	_ =	shalt  }
0x55: {  	_ =	shalt  }
0x56: {  	_ =	shalt  }
0x57: {  	_ =	shalt  }
0x58: {  	_ =	shalt  }
0x59: {  	_ =	shalt  }
0x5a: {  	_ =	shalt  }
0x5b: {  	_ =	shalt  }
0x5c: {  	_ =	shalt  }
0x5d: {  	_ =	shalt  }
0x5e: {  	_ =	shalt  }
0x5f: {  	_ =	shalt  }
0x60: {  	_ =	shalt  }
0x61: {  	_ =	shalt  }
0x62: {  	_ =	shalt  }
0x63: {  	_ =	shalt  }
0x64: {  	_ =	shalt  }
0x65: {  	_ =	shalt  }
0x66: {  	_ =	shalt  }
0x67: {  	_ =	shalt  }
0x68: {  	_ =	shalt  }
0x69: {  	_ =	shalt  }
0x6a: {  	_ =	shalt  }
0x6b: {  	_ =	shalt  }
0x6c: {  	_ =	shalt  }
0x6d: {  	_ =	shalt  }
0x6e: {  	_ =	shalt  }
0x6f: {  	_ =	shalt  }
0x70: {  	_ =	shalt  }
0x71: {  	_ =	shalt  }
0x72: {  	_ =	shalt  }
0x73: {  	_ =	shalt  }
0x74: {  	_ =	shalt  }
0x75: {  	_ =	shalt  }
0x76: {  	_ =	shalt  }
0x77: {  	_ =	shalt  }
0x78: {  	_ =	shalt  }
0x79: {  	_ =	shalt  }
0x7a: {  	_ =	shalt  }
0x7b: {  	_ =	shalt  }
0x7c: {  	_ =	shalt  }
0x7d: {  	_ =	shalt  }
0x7e: {  	_ =	shalt  }
0x7f: {  	_ =	shalt  }
0x80: {  	_ =	shalt  }
0x81: {  	_ =	shalt  }
0x82: {  	_ =	shalt  }
0x83: {  	_ =	shalt  }
0x84: {  	_ =	shalt  }
0x85: {  	_ =	shalt  }
0x86: {  	_ =	shalt  }
0x87: {  	_ =	shalt  }
.Lfunc_end0:
.L_simem_size_0:
called_computation_lowered:
.L_overlay_start_0:
0x88: {  	s2 =	sld [smem:$0x3FD9]  }
0x89: {  	s3 =	sld [smem:$0x3FFE];
	_ =	sdelay $0x1  }
0x8a: {  	s1 =	srdreg.scid  }
0x8b: {  	s0 =	sand.u32 $0x1, s1  }
0x8c: {  	s16 =	sshll.u32 s0, $0xA;
	s2 =	sadd.s32 s3, s2  }
0x8d: {  	s2 =	sadd.s32 s2, s16  }
0x8e: {  	[smem:$0x3FBC] =	sst s2  }
0x8f: {  	_ = 	snop  }
0x90: {  	(tm) =	ssettm $0x1  }
0x91: {  	s17 =	sld [smem:$0x3FFB];
	_ =	sdelay $0x3  }
0x92: {  	_ =	strace s17  }
0x93: {  	s2 =	sld [smem:$0x3FFC];
	_ =	sdelay $0x3  }
0x94: {  	_ =	strace s2  }
0x95: {  	s2 =	sld [smem:$0x3FFD];
	_ =	sdelay $0x3  }
0x96: {  	_ =	strace s2  }
0x97: {  	_ =	strace $0x8FFFFFFF  }
0x98: {  	s18 =	sld [smem:$0x3FDB];
	_ =	sdelay $0x1  }
0x99: {  	s19 =	simm.s32 $_scs_section_size  }
0x9a: {  	s4 =	simm.s32 $_size__tile_overlayer_lowered;
	s5 =	simm.s32 $_tile_overlayer_lowered  }
0x9b: {  	s22 =	simm.s32 $0x1BFF;
	s21 =	sshll.u32 s5, $0x1;
	s2 =	sadd.s32 s19, s18  }
0x9c: {  	s6 =	simm.s32 $0x0;
	s20 =	sshll.u32 s4, $0x1;
	s4 =	sadd.s32 s21, s2  }
0x9d: {  	[timem:s6], [sflag:s22] =	dma.local [hbm:s4], s20  }
0x9e: {  	_ =	swait.ge [sflag:s22], s20  }
0x9f: {  	s3 =	ssub.s32 $0x0, s20;
	[sflag:s22] =	ssyncset.done $0x0  }
0xa0: {  	[sflag:s22] =	ssyncadd.s32 s3;
	_ =	sdelay $0x1  }
0xa1: {  	s23 =	simm.s32 $0x1B8B  }
0xa2: {  	_ =	swait.ge [sflag:s23], $0x1  }
0xa3: {  	[sflag:s23] =	ssyncset.done $0x0  }
0xa4: {  	s25 =	simm.s32 $0x1B8E;
	s24 =	sld [smem:$0x3FFE];
	[sflag:s23] =	ssyncadd.s32 $0xFFFFFFFF  }
0xa5: {  	s26 =	simm.s32 $execute0_lowered;
	[smem:$0x3FD2] =	sst s25  }
0xa6: {  	s4 =	sshll.u32 s26, $0x1;
	_ =	strace $0x80000046;
	[dreg:$0x1] =	wrdreg $0xFFFFFFFF  }
0xa7: {  	s28 =	simm.s32 $_size_execute0_lowered;
	s2 =	sadd.s32 s2, s4;
	[dreg:$0x0] =	wrdreg $0x0  }
0xa8: {  	s4 =	sshll.u32 s28, $0x1;
	[dreg:$0x2] =	wrdreg s2  }
0xa9: {  	[dreg:$0x3] =	wrdreg s4  }
0xaa: {  	[dreg:$0x4] =	wrdreg $0xC0  }
0xab: {  	_ =	task [dreg:s6], $0x5FFFF  }
0xac: {  	[dreg:$0x1] =	wrdreg $0xFFFFFFFF  }
0xad: {  	[dreg:$0x0] =	wrdreg $0x60  }
0xae: {  	[dreg:$0x2] =	wrdreg s24  }
0xaf: {  	[dreg:$0x3] =	wrdreg $0x9  }
0xb0: {  	_ =	task.clear_ibuf [dreg:s6], $0x4FFFF;
	_ =	strace $0x90000046  }
0xb1: {  	s29 =	simm.s32 $0x9;
	_ =	strace $0x80000048  }
0xb2: {  	_ =	swait.ge [sflag:s29], $0x1  }
0xb3: {  	[sflag:s29] =	ssyncadd.s32 $0xFFFFFFFF  }
0xb4: {  	_ =	strace $0x90000048  }
0xb5: {  	_ =	sfence  }
0xb6: {  	s30 =	sld [smem:$0x0];
	_ =	sdelay $0x2  }
0xb7: {  	s31 =	sshll.u32 s1, $0xD;
	s1 =	sshrl.u32 s1, $0x2  }
0xb8: {  	s3 =	sand.u32 $0x4000, s31;
	s1 =	sadd.s32 s1, s30  }
0xb9: {  	s0 =	sor.u32 s3, s0;
	s1 =	sshll.u32 s1, $0x11  }
0xba: {  	s0 =	sor.u32 s1, s0  }
0xbb: {  	s0 =	sadd.s32 $0x8F2B, s0  }
0xbc: {  	[sflag:s0] =	ssyncadd.remote.s32 $0x1  }
0xbd: {  	_ =	sfence.sel $0xFFFF  }
0xbe: {  	[dreg:$0x0] =	wrdreg $0xFFFFFFFF;
	(pc) =	sbr.abs _section_cstart, $3  }
0xbf: {  	[dreg:$0x1] =	wrdreg $0xFFFFFFFF  }
0xc0: {  	_ =	task.clear_ibuf [dreg:s6], $0x2FFFF;
	_ =	strace $0x9FFFFFFF  }
0xc1: {  	(tm) =	ssettm $0x7FFFFFFF  }
tec
execute0_lowered:
.L_overlay_start_1:
0x0: {  	(tag) =	ssettag $0x1  }
0x1: {  	s1 =	stileid.u32  }
0x2: {  	p0 =	sgt.u32 s1, $0x7  }
.Ltmp0:
0x3: {  	_ = 	snop;
	(pc) =	sbr.rel @p0 .LBB2_7-.Ltmp0, $4  }
0x4: {  	_ = 	snop  }
0x5: {  	s3 =	rddreg [dreg:$0x0];
	s2 =	simm.s32 $0x0  }
0x6: {  	[smem:$0x7FF] =	sst s2  }
0x7: {  	s0 =	rddreg [dreg:$0x1];
	_ =	strace $0x80000047  }
0x8: {  	s4 =	srdreg.scid  }
0x9: {  	s5 =	sshll.u32 s1, $0x1;
	s4 =	sand.u32 $0x1, s4  }
0xa: {  	s5 =	sor.u32 s4, s5;
	s4 =	ssub.s32 $0x2, s4  }
0xb: {  	s6 =	sadd.s32 $0x42000, s3;
	v0 =	vlaneseq.u32;
	s7 =	sshll.u32 s5, $0x2;
	s8 =	sshrl.u32 s4, $0x1  }
0xc: {  	v1 =	vor.u32 $0x70, v0;
	s31 =	sshll.u32 s5, $0x8;
	s29 =	sadd.s32 s7, s3;
	s30 =	ssub.s32 s4, s8  }
0xd: {  	v2 =	vor.u32 $0x60, v0;
	v3 =	vor.u32 $0x50, v0;
	v4 =	vor.u32 $0x40, v0;
	s4 =	sadd.s32 s6, s31;
	s6 =	simm.s32 $0x1;
	s7 =	simm.s32 $0x880  }
0xe: {  	v5 =	vor.u32 $0x30, v0;
	v6 =	vor.u32 $0x20, v0;
	v7 =	vor.u32 $0x10, v0;
	s8 =	simm.s32 $0x0;
	s3 =	sadd.s32 $0x43000, s29;
	s5 =	smax.u32 s30, $0x1  }
.LBB2_2:
0xf: {  	s9 =	simm.s32 $0x0  }
0x10: {  	[tilespmem:s9], [sflag:$0x1] =	stream.linear.gather [hbm4b:s4+s9], $0x800, $0x38;
	[tilespmem:$0x900] =	vst v63  }
0x11: {  	_ =	swait.ge [sflag:s6], $0x800  }
0x12: {  	[sflag:s6] =	ssyncset.done $0x0  }
0x13: {  	[sflag:s6] =	ssyncadd.s32 $0xFFFFF800  }
0x14: {  	v8 =	vld [tilespmem:s9+$0x0];
	_ =	sdelay $0x4  }
0x15: {  	(v2sf) =	vpush v8, $0xF  }
0x16: {  	(v2sf) =	vpush v8, $0xD  }
0x17: {  	(v2sf) =	vpush v8, $0xB;
	_ =	sdelay $0x2  }
0x18: {  	(v2sf) =	vpush v8, $0xE;
	_ =	sdelay $0x1  }
0x19: {  	(v2sf) =	vpush v8, $0xC  }
0x1a: {  	(v2sf) =	vpush v8, $0x7;
	_ =	sdelay $0x1  }
0x1b: {  	(v2sf) =	vpush v8, $0x9  }
0x1c: {  	(v2sf) =	vpush v8, $0x6  }
0x1d: {  	(v2sf) =	vpush v8, $0xA  }
0x1e: {  	(v2sf) =	vpush v8, $0x3  }
0x1f: {  	(v2sf) =	vpush v8, $0x8  }
0x20: {  	(v2sf) =	vpush v8, $0x5;
	s10 =	spop (v2sf)  }
0x21: {  	(v2sf) =	vpush v8, $0x0;
	s13 =	spop (v2sf)  }
0x22: {  	s17 =	spop (v2sf);
	(v2sf) =	vpush v8, $0x4  }
0x23: {  	(v2sf) =	vpush v8, $0x1  }
0x24: {  	(v2sf) =	vpush v8, $0x2  }
0x25: {  	s11 =	spop (v2sf)  }
0x26: {  	s12 =	simm.s32 $0x1;
	s14 =	simm.s32 $0x0;
	s15 =	smax.f32 s11, s10  }
0x27: {  	s31 =	spop (v2sf);
	s11 =	sand.u32 $0x1C0, s9;
	s10 =	simm.s32 $0x0  }
0x28: {  	s16 =	smax.f32 s31, s13;
	s18 =	spop (v2sf);
	s13 =	simm.s32 $0x0  }
.LBB2_3:
0x29: {  	s13 =	sadd.s32 $0x10, s13  }
0x2a: {  	s14 =	sadd.s32 $0x4, s14;
	s19 =	spop (v2sf);
	s20 =	smov.u32 s12  }
0x2b: {  	p0 =	sne.s32 s12, $0x7F;
	s12 =	sadd.s32 $0x1, s12;
	s21 =	spop (v2sf)  }
0x2c: {  	s22 =	sand.u32 $0x1C0, s14;
	s18 =	smax.f32 s21, s18;
	s21 =	spop (v2sf)  }
0x2d: {  	s17 =	smax.f32 s21, s17;
	s21 =	spop (v2sf)  }
0x2e: {  	s23 =	spop (v2sf)  }
0x2f: {  	s19 =	smax.f32 s23, s19;
	s23 =	spop (v2sf)  }
0x30: {  	s17 =	smax.f32 s19, s17;
	s19 =	spop (v2sf)  }
0x31: {  	s15 =	smax.f32 s16, s15;
	s16 =	sshrl.u32 s11, $0x2;
	s11 =	spop (v2sf)  }
0x32: {  	s23 =	smax.f32 s11, s23;
	v8 =	vld [tilespmem:s16+$0x800];
	s24 =	spop (v2sf);
	s11 =	smov.u32 s22  }
0x33: {  	s19 =	smax.f32 s19, s24;
	s22 =	spop (v2sf)  }
0x34: {  	s10 =	sand.u32 $0xF, s10;
	s18 =	smax.f32 s23, s18;
	s21 =	smax.f32 s22, s21  }
0x35: {  	v9 =	vmov s10;
	s10 =	smov.u32 s20;
	s15 =	smax.f32 s17, s15;
	s19 =	smax.f32 s19, s21  }
0x36: {  	vm0 =	veq.s32 v9, v0;
	s17 =	smax.f32 s19, s18  }
0x37: {  	s15 =	smax.f32 s17, s15  }
0x38: {  	v8 =	vsel vm0, s15, v8  }
0x39: {  	[tilespmem:s16+$0x800] =	vst v8  }
0x3a: {  	v8 =	vld [tilespmem:s13+$0x0];
	_ =	sdelay $0x4  }
0x3b: {  	(v2sf) =	vpush v8, $0xF  }
0x3c: {  	(v2sf) =	vpush v8, $0xD  }
0x3d: {  	(v2sf) =	vpush v8, $0xB  }
0x3e: {  	(v2sf) =	vpush v8, $0xE  }
0x3f: {  	(v2sf) =	vpush v8, $0xC  }
0x40: {  	(v2sf) =	vpush v8, $0x7  }
0x41: {  	(v2sf) =	vpush v8, $0x9  }
0x42: {  	(v2sf) =	vpush v8, $0x6  }
0x43: {  	(v2sf) =	vpush v8, $0xA  }
0x44: {  	(v2sf) =	vpush v8, $0x3  }
0x45: {  	(v2sf) =	vpush v8, $0x8  }
0x46: {  	(v2sf) =	vpush v8, $0x5  }
0x47: {  	(v2sf) =	vpush v8, $0x0  }
0x48: {  	(v2sf) =	vpush v8, $0x4  }
0x49: {  	(v2sf) =	vpush v8, $0x1  }
0x4a: {  	(v2sf) =	vpush v8, $0x2;
	s15 =	spop (v2sf)  }
.Ltmp1:
0x4b: {  	s16 =	spop (v2sf);
	(pc) =	sbr.rel @p0 .LBB2_3-.Ltmp1, $4  }
0x4c: {  	s17 =	spop (v2sf)  }
0x4d: {  	s18 =	spop (v2sf)  }
0x4e: {  	s15 =	smax.f32 s18, s15;
	s18 =	spop (v2sf)  }
0x4f: {  	s16 =	smax.f32 s18, s16;
	s18 =	spop (v2sf)  }
0x50: {  	s12 =	spop (v2sf)  }
0x51: {  	s13 =	spop (v2sf)  }
0x52: {  	s14 =	spop (v2sf)  }
0x53: {  	s19 =	spop (v2sf)  }
0x54: {  	s15 =	smax.f32 s16, s15;
	s23 =	spop (v2sf)  }
0x55: {  	s13 =	smax.f32 s13, s18;
	s24 =	spop (v2sf)  }
0x56: {  	s14 =	smax.f32 s14, s17;
	s25 =	spop (v2sf)  }
0x57: {  	s12 =	smax.f32 s23, s12;
	s26 =	spop (v2sf)  }
0x58: {  	s11 =	sshrl.u32 s11, $0x2;
	s12 =	smax.f32 s12, s14;
	s28 =	spop (v2sf)  }
0x59: {  	v8 =	vld [tilespmem:s11+$0x800];
	s14 =	smax.f32 s26, s24;
	s29 =	spop (v2sf)  }
0x5a: {  	s16 =	smax.f32 s25, s28;
	s17 =	smax.f32 s29, s19  }
0x5b: {  	s10 =	sand.u32 $0xF, s10;
	s13 =	smax.f32 s14, s13;
	s30 =	smax.f32 s16, s17  }
0x5c: {  	v9 =	vmov s10;
	s12 =	smax.f32 s12, s15;
	s31 =	smax.f32 s30, s13  }
0x5d: {  	vm0 =	veq.s32 v9, v0;
	s10 =	smax.f32 s31, s12  }
0x5e: {  	v8 =	vsel vm0, s10, v8  }
0x5f: {  	v9 =	vimm.s32 $0x0;
	[tilespmem:s11+$0x800] =	vst v8;
	v8 =	vimm.s32 $0x0  }
.LBB2_5:
0x60: {  	v10 =	vld [tilespmem:$0x800]  }
0x61: {  	v11 =	vld [tilespmem:$0x810]  }
0x62: {  	v12 =	vld [tilespmem:$0x820]  }
0x63: {  	v13 =	vld [tilespmem:$0x830]  }
0x64: {  	v14 =	vld [tilespmem:$0x840]  }
0x65: {  	v15 =	vld [tilespmem:$0x850]  }
0x66: {  	v16 =	vld [tilespmem:$0x860];
	v17 =	vmax.f32 v10, v11  }
0x67: {  	v18 =	vld [tilespmem:$0x870];
	v17 =	vmax.f32 v17, v12  }
0x68: {  	v17 =	vmax.f32 v17, v13  }
0x69: {  	v17 =	vmax.f32 v17, v14  }
0x6a: {  	v17 =	vmax.f32 v17, v15  }
0x6b: {  	v17 =	vmax.f32 v17, v16  }
0x6c: {  	v17 =	vmax.f32 v17, v18  }
0x6d: {  	(v2sf) =	vpush v17, $0x0  }
0x6e: {  	(v2sf) =	vpush v17, $0x1  }
0x6f: {  	(v2sf) =	vpush v17, $0x2  }
0x70: {  	(v2sf) =	vpush v17, $0x3  }
0x71: {  	(v2sf) =	vpush v17, $0x4  }
0x72: {  	(v2sf) =	vpush v17, $0x5  }
0x73: {  	(v2sf) =	vpush v17, $0x6  }
0x74: {  	(v2sf) =	vpush v17, $0x7  }
0x75: {  	(v2sf) =	vpush v17, $0x8  }
0x76: {  	(v2sf) =	vpush v17, $0x9  }
0x77: {  	(v2sf) =	vpush v17, $0xA  }
0x78: {  	(v2sf) =	vpush v17, $0xB  }
0x79: {  	(v2sf) =	vpush v17, $0xC  }
0x7a: {  	(v2sf) =	vpush v17, $0xD  }
0x7b: {  	(v2sf) =	vpush v17, $0xE  }
0x7c: {  	s10 =	spop (v2sf);
	(v2sf) =	vpush v17, $0xF  }
0x7d: {  	s11 =	spop (v2sf)  }
0x7e: {  	s12 =	spop (v2sf)  }
0x7f: {  	s13 =	spop (v2sf)  }
0x80: {  	s14 =	spop (v2sf)  }
0x81: {  	s15 =	spop (v2sf)  }
0x82: {  	s16 =	spop (v2sf)  }
0x83: {  	s17 =	spop (v2sf)  }
0x84: {  	s10 =	smax.f32 s10, s11;
	s18 =	spop (v2sf)  }
0x85: {  	s13 =	smax.f32 s12, s13;
	s19 =	spop (v2sf)  }
0x86: {  	s10 =	smax.f32 s10, s13;
	s20 =	spop (v2sf)  }
0x87: {  	s15 =	smax.f32 s14, s15;
	s21 =	spop (v2sf)  }
0x88: {  	s17 =	smax.f32 s16, s17;
	s22 =	spop (v2sf)  }
0x89: {  	s29 =	smax.f32 s15, s17;
	s23 =	spop (v2sf)  }
0x8a: {  	s19 =	smax.f32 s18, s19;
	s24 =	spop (v2sf)  }
0x8b: {  	s21 =	smax.f32 s20, s21;
	s25 =	spop (v2sf)  }
0x8c: {  	s26 =	smax.f32 s22, s23;
	s28 =	smax.f32 s24, s25  }
0x8d: {  	s30 =	smax.f32 s19, s21;
	s31 =	smax.f32 s26, s28  }
0x8e: {  	s10 =	smax.f32 s10, s29;
	s14 =	smax.f32 s30, s31  }
0x8f: {  	s12 =	smax.f32 s10, s14  }
0x90: {  	vm0 =	veq.f32 v18, s12  }
0x91: {  	vm1 =	veq.f32 v16, s12;
	v57 =	vnsel vm0, $0x186A0, v1  }
0x92: {  	vm6 =	veq.f32 v15, s12;
	v58 =	vsel vm1, v2, v57  }
0x93: {  	vm7 =	veq.f32 v14, s12;
	v59 =	vsel vm6, v3, v58  }
0x94: {  	vm8 =	veq.f32 v13, s12;
	v60 =	vsel vm7, v4, v59  }
0x95: {  	vm9 =	veq.f32 v12, s12;
	v61 =	vsel vm8, v5, v60  }
0x96: {  	vm10 =	veq.f32 v11, s12;
	v11 =	vsel vm9, v6, v61  }
0x97: {  	vm11 =	veq.f32 v10, s12;
	v10 =	vsel vm10, v7, v11  }
0x98: {  	v10 =	vsel vm11, v0, v10  }
0x99: {  	(v2sf) =	vpush v10, $0x0  }
0x9a: {  	(v2sf) =	vpush v10, $0x1  }
0x9b: {  	(v2sf) =	vpush v10, $0x2  }
0x9c: {  	(v2sf) =	vpush v10, $0x3  }
0x9d: {  	(v2sf) =	vpush v10, $0x4  }
0x9e: {  	(v2sf) =	vpush v10, $0x5  }
0x9f: {  	(v2sf) =	vpush v10, $0x6  }
0xa0: {  	(v2sf) =	vpush v10, $0x7  }
0xa1: {  	(v2sf) =	vpush v10, $0x8  }
0xa2: {  	(v2sf) =	vpush v10, $0x9  }
0xa3: {  	(v2sf) =	vpush v10, $0xA  }
0xa4: {  	(v2sf) =	vpush v10, $0xB  }
0xa5: {  	(v2sf) =	vpush v10, $0xC  }
0xa6: {  	(v2sf) =	vpush v10, $0xD  }
0xa7: {  	(v2sf) =	vpush v10, $0xE  }
0xa8: {  	s11 =	spop (v2sf);
	(v2sf) =	vpush v10, $0xF  }
0xa9: {  	s13 =	spop (v2sf)  }
0xaa: {  	s14 =	spop (v2sf)  }
0xab: {  	s15 =	spop (v2sf)  }
0xac: {  	s16 =	spop (v2sf)  }
0xad: {  	s17 =	spop (v2sf)  }
0xae: {  	s18 =	spop (v2sf)  }
0xaf: {  	s19 =	spop (v2sf)  }
0xb0: {  	s20 =	spop (v2sf)  }
0xb1: {  	p0 =	slt.s32 s11, s13;
	s21 =	spop (v2sf)  }
0xb2: {  	s13 =	smov.u32 @p0 s11;
	p0 =	slt.s32 s14, s15;
	s22 =	spop (v2sf)  }
0xb3: {  	s15 =	smov.u32 @p0 s14;
	p1 =	slt.s32 s16, s17;
	s23 =	spop (v2sf)  }
0xb4: {  	s17 =	smov.u32 @p1 s16;
	p0 =	slt.s32 s18, s19;
	s24 =	spop (v2sf)  }
0xb5: {  	s19 =	smov.u32 @p0 s18;
	p0 =	slt.s32 s20, s21;
	s25 =	spop (v2sf)  }
0xb6: {  	s21 =	smov.u32 @p0 s20;
	p1 =	slt.s32 s22, s23;
	s26 =	spop (v2sf)  }
0xb7: {  	s23 =	smov.u32 @p1 s22;
	p0 =	slt.s32 s24, s25;
	s10 =	spop (v2sf)  }
0xb8: {  	p1 =	slt.s32 s13, s15;
	s25 =	smov.u32 @p0 s24;
	p0 =	slt.s32 s26, s10  }
0xb9: {  	s15 =	smov.u32 @p1 s13;
	s10 =	smov.u32 @p0 s26;
	p0 =	slt.s32 s17, s19  }
0xba: {  	s19 =	smov.u32 @p0 s17;
	p0 =	slt.s32 s21, s23;
	p1 =	slt.s32 s25, s10  }
0xbb: {  	s23 =	smov.u32 @p0 s21;
	s10 =	smov.u32 @p1 s25  }
0xbc: {  	p0 =	slt.s32 s15, s19;
	p1 =	slt.s32 s23, s10  }
0xbd: {  	s19 =	smov.u32 @p0 s15;
	s10 =	smov.u32 @p1 s23  }
0xbe: {  	p0 =	slt.s32 s19, s10  }
0xbf: {  	s10 =	smov.u32 @p0 s19  }
0xc0: {  	s11 =	sshll.u32 s10, $0x4  }
0xc1: {  	v10 =	vld [tilespmem:s11+$0x0];
	_ =	sdelay $0x4  }
0xc2: {  	vm12 =	veq.f32 v10, s12  }
0xc3: {  	v11 =	vnsel vm12, $0x186A0, v0  }
0xc4: {  	(v2sf) =	vpush v11, $0x0  }
0xc5: {  	(v2sf) =	vpush v11, $0x1  }
0xc6: {  	(v2sf) =	vpush v11, $0x2  }
0xc7: {  	(v2sf) =	vpush v11, $0x3  }
0xc8: {  	(v2sf) =	vpush v11, $0x4  }
0xc9: {  	(v2sf) =	vpush v11, $0x5  }
0xca: {  	(v2sf) =	vpush v11, $0x6  }
0xcb: {  	(v2sf) =	vpush v11, $0x7  }
0xcc: {  	(v2sf) =	vpush v11, $0x8  }
0xcd: {  	(v2sf) =	vpush v11, $0x9  }
0xce: {  	(v2sf) =	vpush v11, $0xA  }
0xcf: {  	(v2sf) =	vpush v11, $0xB  }
0xd0: {  	(v2sf) =	vpush v11, $0xC  }
0xd1: {  	(v2sf) =	vpush v11, $0xD  }
0xd2: {  	(v2sf) =	vpush v11, $0xE  }
0xd3: {  	s15 =	spop (v2sf);
	(v2sf) =	vpush v11, $0xF  }
0xd4: {  	s16 =	spop (v2sf)  }
0xd5: {  	s17 =	spop (v2sf)  }
0xd6: {  	s18 =	spop (v2sf)  }
0xd7: {  	s19 =	spop (v2sf)  }
0xd8: {  	s20 =	spop (v2sf)  }
0xd9: {  	s21 =	spop (v2sf)  }
0xda: {  	s22 =	spop (v2sf)  }
0xdb: {  	s23 =	spop (v2sf)  }
0xdc: {  	s24 =	spop (v2sf)  }
0xdd: {  	s25 =	spop (v2sf)  }
0xde: {  	s26 =	spop (v2sf)  }
0xdf: {  	s29 =	spop (v2sf)  }
0xe0: {  	s12 =	smin.u32 s15, s16;
	s15 =	smin.u32 s17, s18;
	s30 =	spop (v2sf)  }
0xe1: {  	s12 =	smin.u32 s12, s15;
	s17 =	smin.u32 s19, s20;
	s31 =	spop (v2sf)  }
0xe2: {  	s19 =	smin.u32 s21, s22;
	s21 =	smin.u32 s23, s24;
	s28 =	spop (v2sf)  }
0xe3: {  	s23 =	smin.u32 s25, s26;
	s25 =	smin.u32 s29, s30;
	s26 =	smin.u32 s31, s28  }
0xe4: {  	s29 =	smin.u32 s21, s23;
	s28 =	smin.u32 s17, s19;
	s30 =	smin.u32 s25, s26  }
0xe5: {  	s12 =	smin.u32 s12, s28;
	s31 =	smin.u32 s29, s30  }
0xe6: {  	s12 =	smin.u32 s12, s31  }
0xe7: {  	v11 =	vmov s12  }
0xe8: {  	vm13 =	veq.s32 v11, v0  }
0xe9: {  	v10 =	vsel vm13, $0xF149F2CA, v10  }
0xea: {  	(v2sf) =	vpush v10, $0x0  }
0xeb: {  	(v2sf) =	vpush v10, $0x1;
	_ =	sdelay $0x1  }
0xec: {  	(v2sf) =	vpush v10, $0x2  }
0xed: {  	(v2sf) =	vpush v10, $0x3  }
0xee: {  	(v2sf) =	vpush v10, $0x4  }
0xef: {  	(v2sf) =	vpush v10, $0x5  }
0xf0: {  	(v2sf) =	vpush v10, $0x6  }
0xf1: {  	(v2sf) =	vpush v10, $0x7  }
0xf2: {  	(v2sf) =	vpush v10, $0x8  }
0xf3: {  	(v2sf) =	vpush v10, $0x9  }
0xf4: {  	(v2sf) =	vpush v10, $0xA  }
0xf5: {  	(v2sf) =	vpush v10, $0xB  }
0xf6: {  	(v2sf) =	vpush v10, $0xC  }
0xf7: {  	(v2sf) =	vpush v10, $0xD  }
0xf8: {  	s14 =	spop (v2sf);
	(v2sf) =	vpush v10, $0xE  }
0xf9: {  	s15 =	spop (v2sf);
	(v2sf) =	vpush v10, $0xF;
	_ =	sdelay $0x1  }
0xfa: {  	s28 =	sshra.s32 s10, $0x1F;
	s16 =	spop (v2sf)  }
0xfb: {  	s22 =	sshrl.u32 s28, $0x1C;
	s31 =	spop (v2sf)  }
0xfc: {  	s22 =	sadd.s32 s22, s10;
	s17 =	spop (v2sf)  }
0xfd: {  	p0 =	slt.s32 s10, $0x1;
	s29 =	sand.u32 $0xFFFFFFF0, s22;
	s18 =	spop (v2sf)  }
0xfe: {  	s22 =	sshrl.u32 s22, $0x4;
	p6 =	sne.s32 s10, s29;
	s19 =	spop (v2sf)  }
0xff: {  	p0 =	por !p0, !p6;
	s13 =	smax.f32 s14, s15;
	s20 =	spop (v2sf)  }
0x100: {  	p0 =	por !p0, !p0;
	s15 =	smax.f32 s16, s31;
	s21 =	spop (v2sf)  }
0x101: {  	s14 =	simm.s32 $0x1;
	s13 =	smax.f32 s13, s15;
	s23 =	spop (v2sf)  }
0x102: {  	s14 =	simm.s32 @!p0 $0x0;
	s17 =	smax.f32 s17, s18;
	s24 =	spop (v2sf)  }
0x103: {  	s14 =	ssub.s32 s22, s14;
	s22 =	smax.f32 s19, s20;
	s25 =	spop (v2sf)  }
0x104: {  	s26 =	smax.f32 s17, s22;
	s28 =	spop (v2sf)  }
0x105: {  	s14 =	sshll.u32 s14, $0x6;
	s23 =	smax.f32 s21, s23;
	s30 =	spop (v2sf)  }
0x106: {  	[tilespmem:s11+$0x0] =	vst v10;
	s14 =	sshra.s32 s14, $0x2;
	s24 =	smax.f32 s24, s25;
	s29 =	spop (v2sf)  }
0x107: {  	v10 =	vld [tilespmem:s14+$0x800];
	s25 =	smax.f32 s28, s30;
	s31 =	spop (v2sf)  }
0x108: {  	p0 =	sne.s32 s9, $0x1F;
	s28 =	smax.f32 s23, s24;
	s16 =	smax.f32 s29, s31  }
.Ltmp2:
0x109: {  	s10 =	sand.u32 $0xF, s10;
	s16 =	smax.f32 s25, s16;
	(pc) =	sbr.rel @p0 .LBB2_5-.Ltmp2, $4  }
0x10a: {  	v11 =	vmov s10;
	s13 =	smax.f32 s13, s26;
	s29 =	sadd.s32 $0xFFFFFFF0, s9;
	s30 =	smax.f32 s28, s16  }
0x10b: {  	v62 =	vmov s9;
	vm14 =	veq.s32 v11, v0;
	v63 =	vmov s29;
	s31 =	smax.f32 s13, s30  }
0x10c: {  	vm15 =	veq.s32 v62, v0;
	s11 =	sadd.s32 s12, s11;
	vm2 =	veq.s32 v63, v0;
	v10 =	vsel vm14, s31, v10  }
0x10d: {  	v9 =	vsel vm15, s11, v9;
	s9 =	sadd.s32 $0x1, s9;
	v8 =	vsel vm2, s11, v8;
	[tilespmem:s14+$0x800] =	vst v10  }
0x10e: {  	s8 =	sadd.s32 $0x1, s8  }
0x10f: {  	[tilespmem:$0x880] =	vst v9;
	p0 =	sne.s32 s8, s5  }
.Ltmp3:
0x110: {  	[tilespmem:$0x890] =	vst v8;
	(pc) =	sbr.rel @p0 .LBB2_2-.Ltmp3, $4  }
0x111: {  	[hbm4b:s3+s2] =	stream.linear.scatter [tilespmem:s7], [sflag:$0x1], $0x20, $0x38;
	[tilespmem:$0x900] =	vst v63  }
0x112: {  	_ =	swait.ge [sflag:s6], $0x20  }
0x113: {  	[sflag:s6] =	ssyncset.done $0x0  }
0x114: {  	[sflag:s6] =	ssyncadd.s32 $0xFFFFFFE0  }
.LBB2_7:
0x115: {  	_ =	sfence.sel $0x180000  }
0x116: {  	[bflag:$0x0] =	sbarrier.arrive $0xFFFF  }
0x117: {  	p0 =	sne.s32 s1, $0x0;
	_ =	strace $0x90000047  }
0x118: {  	s0 =	sadd.s32 @!p0 $0x100000, s0;
	[bflag:$0x2] =	sbarrier.arrive $0xFFFF  }
0x119: {  	[sflag:s0] =	ssyncadd.tile.s32 @!p0 $0x1;
	_ =	shalt  }
.Lfunc_end2:
_tile_overlayer_lowered:
.L_overlay_start_2:
0x11a: {  	(tag) =	ssettag $0x2  }
0x11b: {  	s0 =	rddreg [dreg:$0x0];
	s2 =	stileid.u32  }
0x11c: {  	s1 =	rddreg [dreg:$0x1];
	p0 =	sne.s32 s2, $0x0  }
0x11d: {  	s3 =	rddreg [dreg:$0x2];
	[bflag:$0x3] =	sbarrier.arrive $0xFFFF;
	s2 =	simm.s32 @!p0 $0x1C01  }
0x11e: {  	[timem:s3], [sflag:s2] =	dma.local @!p0 [hbm:s0], s1  }
0x11f: {  	s0 =	simm.s32 @!p0 $0x1  }
0x120: {  	_ =	swait.ge @!p0 [sflag:s0], s1  }
0x121: {  	s1 =	ssub.s32 @!p0 $0x0, s1;
	[sflag:s0] =	ssyncset.done @!p0 $0x0  }
0x122: {  	[sflag:s0] =	ssyncadd.s32 @!p0 s1  }
0x123: {  	[bflag:$0x3] =	sbarrier.arrive $0xFFFF  }
0x124: {  	_ =	shalt  }

</sc_bundles>
